<compile_context>
chip_gen: v7x
topology: tpu7x:2x2x1
jax: 0.10.2.dev20260603
libtpu: 0.0.44.dev20260713+nightly
codegen_flags: <defaults>
</compile_context>

<pallas_src>
import functools

import jax
import jax.numpy as jnp
from jax import lax
from jax.experimental import pallas as pl
from jax.experimental.pallas import tpu as pltpu
from jax.experimental.pallas import tpu_sc as plsc

N = 16384
EMBED = 64
GRP = 8
VOCAB = 1000000
NUM_CORES = 2
NUM_SUBCORES = 16
NW = NUM_CORES * NUM_SUBCORES
BPW = N // NW
LANES = 16
NGROUP = BPW // LANES

_mesh = plsc.VectorSubcoreMesh(core_axis_name="c", subcore_axis_name="s")


@functools.partial(
    pl.kernel,
    mesh=_mesh,
    out_type=jax.ShapeDtypeStruct((N, EMBED), jnp.float32),
    scratch_types=[
        pltpu.VMEM((BPW,), jnp.int32),
        pltpu.VMEM((BPW, EMBED), jnp.float32),
        pltpu.SemaphoreType.DMA,
    ],
)
def _gather_kernel(idx_hbm, table_hbm, out_hbm, idx_v, rows_v, sem):
    wid = lax.axis_index("s") * NUM_CORES + lax.axis_index("c")
    base = wid * BPW
    pltpu.sync_copy(idx_hbm.at[pl.ds(base, BPW)], idx_v)

    def group(g, _):
        vec = idx_v[pl.ds(g * LANES, LANES)]
        for k in range(LANES):
            row = vec[k]
            j = g * LANES + k
            pltpu.async_copy(
                table_hbm.at[row // GRP].at[pl.ds(row % GRP, 1)],
                rows_v.at[pl.ds(j, 1)],
                sem,
            )
        return 0

    lax.fori_loop(0, NGROUP, group, 0)
    pltpu.make_async_copy(
        out_hbm.at[pl.ds(0, BPW)], rows_v, sem
    ).wait()
    pltpu.sync_copy(rows_v, out_hbm.at[pl.ds(base, BPW)])


def kernel(data, ivectors):
    table3 = ivectors.reshape(VOCAB // GRP, GRP, EMBED)
    return _gather_kernel(data.astype(jnp.int32), table3)

# --- scband reference (transcript-rebuilt; emitter-appended) ---
"""Pipeline reference for scband-spell2-vec-54022098649818 (READ-ONLY COPY).

The authoritative reference and input builder live on the scoring server;
editing this copy changes nothing except your own understanding.
"""

import jax, jax.numpy as jnp
import numpy as np

WORD_VOCAB = 1000000
EMBED = 64
N = 16384


def setup_inputs(seed: int = 0) -> dict:
    key = jax.random.key(seed)
    k1, k2 = jax.random.split(key)
    # word indices; all values < word_vocab_size so only the high-frequency
    # embedding-lookup path of input_vectors() is exercised (no char-RNN branch).
    data = jax.random.randint(k1, (N,), 0, WORD_VOCAB)
    # ivectors table, initialized like the torch module:
    # uniform(-0.5/embedding_size, 0.5/embedding_size)
    ivectors = jax.random.uniform(
        k2, (WORD_VOCAB, EMBED), minval=-0.5 / EMBED, maxval=0.5 / EMBED,
        dtype=jnp.float32,
    )
    return {"data": data, "ivectors": ivectors}


def reference(data, ivectors):
    # Spell2Vec.forward(data, is_input=True) -> input_vectors(data).
    # With all indices < word_vocab_size, hf_data == data, hf_data_idxs == arange(N),
    # and the lf (char-RNN) branch is skipped, so the forward reduces exactly to
    # embeddings = self.ivectors(data).
    embeddings = jnp.take(ivectors, data, axis=0)
    return embeddings

if __name__ == "__main__":
    import jax
    _d = setup_inputs()
    print(jax.jit(kernel)(*tuple(_d.values())))

</pallas_src>

<mosaic_0001>
#map = affine_map<(d0, d1) -> (0)>
#map1 = affine_map<(d0, d1) -> (0, 0, 0)>
#map2 = affine_map<(d0, d1) -> (0, 0)>
module attributes {stable_mosaic.version = 14 : i64} {
  func.func @_gather_kernel(%arg0: i32, %arg1: i32, %arg2: memref<16384xi32, #tpu.memory_space<hbm>>, %arg3: memref<125000x8x64xf32, #tpu.memory_space<hbm>>, %arg4: memref<16384x64xf32, #tpu.memory_space<hbm>>, %arg5: memref<512xi32, #tpu.memory_space<vmem>>, %arg6: memref<512x64xf32, #tpu.memory_space<vmem>>, %arg7: memref<!tpu.dma_semaphore, #tpu.memory_space<semaphore_mem>>) attributes {dimension_semantics = [#tpu.dimension_semantics<core_parallel>, #tpu.dimension_semantics<subcore_parallel>], iteration_bounds = array<i64: 2, 16>, scalar_prefetch = 0 : i64, scratch_operands = 3 : i64, tpu.core_type = #tpu.core_type<sc_vector_subcore>, window_params = [{transform_indices = #map}, {transform_indices = #map1}, {transform_indices = #map2}]} {
    %mul3A = arith.constant 2 : i32
    %mul3A_0 = arith.muli %arg1, %mul3A : i32
    %add3A = arith.addi %mul3A_0, %arg0 : i32
    %mul3A_1 = arith.constant 512 : i32
    %mul3A_2 = arith.muli %add3A, %mul3A_1 : i32
    "tpu.region"() ({
      %run_scoped3A = tpu.sem_alloc : memref<!tpu.dma_semaphore, #tpu.memory_space<semaphore_mem>>
      %dma_start3A = tpu.memref_slice %arg2[%mul3A_2] : memref<16384xi32, #tpu.memory_space<hbm>> -> memref<512xi32, #tpu.memory_space<hbm>>
      %dma_start3A_14 = tpu.memref_slice %arg2[%mul3A_2] : memref<16384xi32, #tpu.memory_space<hbm>> -> memref<512xi32, #tpu.memory_space<hbm>>
      tpu.enqueue_dma source(%dma_start3A_14 : memref<512xi32, #tpu.memory_space<hbm>>) target(%arg5 : memref<512xi32, #tpu.memory_space<vmem>>) target_semaphore(%run_scoped3A : memref<!tpu.dma_semaphore, #tpu.memory_space<semaphore_mem>>)
      %dma_wait3A_15 = tpu.memref_slice %arg2[%mul3A_2] : memref<16384xi32, #tpu.memory_space<hbm>> -> memref<512xi32, #tpu.memory_space<hbm>>
      %dma_wait3A_16 = tpu.memref_slice %arg2[%mul3A_2] : memref<16384xi32, #tpu.memory_space<hbm>> -> memref<512xi32, #tpu.memory_space<hbm>>
      tpu.wait_dma2 semaphore(%run_scoped3A : memref<!tpu.dma_semaphore, #tpu.memory_space<semaphore_mem>>) src(%dma_wait3A_16 : memref<512xi32, #tpu.memory_space<hbm>>) dst(%arg5 : memref<512xi32, #tpu.memory_space<vmem>>)
      tpu.yield
    }) : () -> ()
    %scan3A = arith.constant 0 : i32
    %scan3A_3 = arith.constant 0 : i32
    %scan3A_4 = arith.constant 32 : i32
    %scan3A_5 = arith.addi %scan3A_3, %scan3A_4 : i32
    %scan3A_6 = arith.constant 1 : i32
    %scan3A_7 = scf.for %scan3A_14 = %scan3A_3 to %scan3A_5 step %scan3A_6 iter_args(%scan3A_15 = %scan3A) -> (i32)  : i32 {
      %mul3A_16 = arith.constant 16 : i32
      %mul3A_17 = arith.muli %scan3A_14, %mul3A_16 : i32
      %get3A = arith.index_cast %mul3A_17 : i32 to index
      %get3A_18 = tpu.vector_load %arg5[%get3A] {strides = array<i32>} : memref<512xi32, #tpu.memory_space<vmem>>, vector<16xi32>,
      %get3A_19 = vector.shape_cast %get3A_18 : vector<16xi32> to vector<16xi32>
      %slice3A = vector.extract_strided_slice %get3A_19 {offsets = [0], sizes = [1], strides = [1]} : vector<16xi32> to vector<1xi32>
      %squeeze3A = vector.extract %slice3A[0] : i32 from vector<1xi32>
      %mul3A_20 = arith.constant 16 : i32
      %mul3A_21 = arith.muli %scan3A_14, %mul3A_20 : i32
      %add3A_22 = arith.constant 0 : i32
      %add3A_23 = arith.addi %mul3A_21, %add3A_22 : i32
      %jit3A = arith.constant 8 : i32
      %div3A = arith.divsi %squeeze3A, %jit3A : i32
      %sign3A = arith.constant 0 : i32
      %sign3A_24 = arith.cmpi sgt, %squeeze3A, %sign3A : i32
      %sign3A_25 = arith.extui %sign3A_24 : i1 to i32
      %sign3A_26 = arith.constant 0 : i32
      %sign3A_27 = arith.cmpi slt, %squeeze3A, %sign3A_26 : i32
      %sign3A_28 = arith.extui %sign3A_27 : i1 to i32
      %sign3A_29 = arith.subi %sign3A_25, %sign3A_28 : i32
      %sign3A_30 = arith.constant 0 : i32
      %sign3A_31 = arith.cmpi sgt, %jit3A, %sign3A_30 : i32
      %sign3A_32 = arith.extui %sign3A_31 : i1 to i32
      %sign3A_33 = arith.constant 0 : i32
      %sign3A_34 = arith.cmpi slt, %jit3A, %sign3A_33 : i32
      %sign3A_35 = arith.extui %sign3A_34 : i1 to i32
      %sign3A_36 = arith.subi %sign3A_32, %sign3A_35 : i32
      %ne3A = arith.cmpi ne, %sign3A_29, %sign3A_36 : i32
      %rem3A = arith.remsi %squeeze3A, %jit3A : i32
      %ne3A_37 = arith.constant 0 : i32
      %ne3A_38 = arith.cmpi ne, %rem3A, %ne3A_37 : i32
      %and3A = arith.andi %ne3A, %ne3A_38 : i1
      %sub3A = arith.constant 1 : i32
      %sub3A_39 = arith.subi %div3A, %sub3A : i32
      %select_n3A = arith.select %and3A, %sub3A_39, %div3A : i32
      %jit3A_40 = arith.constant 8 : i32
      %eq3A = arith.constant 0 : i32
      %eq3A_41 = arith.cmpi eq, %jit3A_40, %eq3A : i32
      %jit3A_42 = arith.constant 1 : i32
      %select_n3A_43 = arith.select %eq3A_41, %jit3A_42, %jit3A_40 : i32
      %rem3A_44 = arith.remsi %squeeze3A, %select_n3A_43 : i32
      %ne3A_45 = arith.constant 0 : i32
      %ne3A_46 = arith.cmpi ne, %rem3A_44, %ne3A_45 : i32
      %lt3A = arith.constant 0 : i32
      %lt3A_47 = arith.cmpi slt, %rem3A_44, %lt3A : i32
      %lt3A_48 = arith.constant 0 : i32
      %lt3A_49 = arith.cmpi slt, %select_n3A_43, %lt3A_48 : i32
      %ne3A_50 = arith.xori %lt3A_47, %lt3A_49 : i1
      %and3A_51 = arith.andi %ne3A_50, %ne3A_46 : i1
      %add3A_52 = arith.addi %rem3A_44, %select_n3A_43 : i32
      %select_n3A_53 = arith.select %and3A_51, %add3A_52, %rem3A_44 : i32
      %dma_start3A = arith.constant 0 : i32
      %dma_start3A_54 = tpu.memref_slice %arg6[%add3A_23, %dma_start3A] : memref<512x64xf32, #tpu.memory_space<vmem>> -> memref<1x64xf32, #tpu.memory_space<vmem>>
      %dma_start3A_55 = arith.constant 0 : i32
      %dma_start3A_56 = arith.constant 0 : i32
      %dma_start3A_57 = tpu.memref_slice %arg3[%select_n3A, %dma_start3A_55, %dma_start3A_56] : memref<125000x8x64xf32, #tpu.memory_space<hbm>> -> memref<1x8x64xf32, #tpu.memory_space<hbm>>
      %dma_start3A_58 = tpu.memref_squeeze %dma_start3A_57 : memref<1x8x64xf32, #tpu.memory_space<hbm>> -> memref<8x64xf32, #tpu.memory_space<hbm>>
      %dma_start3A_59 = arith.constant 0 : i32
      %dma_start3A_60 = tpu.memref_slice %dma_start3A_58[%select_n3A_53, %dma_start3A_59] : memref<8x64xf32, #tpu.memory_space<hbm>> -> memref<1x64xf32, #tpu.memory_space<hbm>>
      %dma_start3A_61 = arith.constant 0 : i32
      %dma_start3A_62 = tpu.memref_slice %arg6[%add3A_23, %dma_start3A_61] : memref<512x64xf32, #tpu.memory_space<vmem>> -> memref<1x64xf32, #tpu.memory_space<vmem>>
      %dma_start3A_63 = arith.constant 0 : i32
      %dma_start3A_64 = arith.constant 0 : i32
      %dma_start3A_65 = tpu.memref_slice %arg3[%select_n3A, %dma_start3A_63, %dma_start3A_64] : memref<125000x8x64xf32, #tpu.memory_space<hbm>> -> memref<1x8x64xf32, #tpu.memory_space<hbm>>
      %dma_start3A_66 = tpu.memref_squeeze %dma_start3A_65 : memref<1x8x64xf32, #tpu.memory_space<hbm>> -> memref<8x64xf32, #tpu.memory_space<hbm>>
      %dma_start3A_67 = arith.constant 0 : i32
      %dma_start3A_68 = tpu.memref_slice %dma_start3A_66[%select_n3A_53, %dma_start3A_67] : memref<8x64xf32, #tpu.memory_space<hbm>> -> memref<1x64xf32, #tpu.memory_space<hbm>>
      tpu.enqueue_dma source(%dma_start3A_68 : memref<1x64xf32, #tpu.memory_space<hbm>>) target(%dma_start3A_62 : memref<1x64xf32, #tpu.memory_space<vmem>>) target_semaphore(%arg7 : memref<!tpu.dma_semaphore, #tpu.memory_space<semaphore_mem>>)
      %slice3A_69 = vector.extract_strided_slice %get3A_19 {offsets = [1], sizes = [1], strides = [1]} : vector<16xi32> to vector<1xi32>
      %squeeze3A_70 = vector.extract %slice3A_69[0] : i32 from vector<1xi32>
      %mul3A_71 = arith.constant 16 : i32
      %mul3A_72 = arith.muli %scan3A_14, %mul3A_71 : i32
      %add3A_73 = arith.constant 1 : i32
      %add3A_74 = arith.addi %mul3A_72, %add3A_73 : i32
      %jit3A_75 = arith.constant 8 : i32
      %div3A_76 = arith.divsi %squeeze3A_70, %jit3A_75 : i32
      %sign3A_77 = arith.constant 0 : i32
      %sign3A_78 = arith.cmpi sgt, %squeeze3A_70, %sign3A_77 : i32
      %sign3A_79 = arith.extui %sign3A_78 : i1 to i32
      %sign3A_80 = arith.constant 0 : i32
      %sign3A_81 = arith.cmpi slt, %squeeze3A_70, %sign3A_80 : i32
      %sign3A_82 = arith.extui %sign3A_81 : i1 to i32
      %sign3A_83 = arith.subi %sign3A_79, %sign3A_82 : i32
      %sign3A_84 = arith.constant 0 : i32
      %sign3A_85 = arith.cmpi sgt, %jit3A_75, %sign3A_84 : i32
      %sign3A_86 = arith.extui %sign3A_85 : i1 to i32
      %sign3A_87 = arith.constant 0 : i32
      %sign3A_88 = arith.cmpi slt, %jit3A_75, %sign3A_87 : i32
      %sign3A_89 = arith.extui %sign3A_88 : i1 to i32
      %sign3A_90 = arith.subi %sign3A_86, %sign3A_89 : i32
      %ne3A_91 = arith.cmpi ne, %sign3A_83, %sign3A_90 : i32
      %rem3A_92 = arith.remsi %squeeze3A_70, %jit3A_75 : i32
      %ne3A_93 = arith.constant 0 : i32
      %ne3A_94 = arith.cmpi ne, %rem3A_92, %ne3A_93 : i32
      %and3A_95 = arith.andi %ne3A_91, %ne3A_94 : i1
      %sub3A_96 = arith.constant 1 : i32
      %sub3A_97 = arith.subi %div3A_76, %sub3A_96 : i32
      %select_n3A_98 = arith.select %and3A_95, %sub3A_97, %div3A_76 : i32
      %jit3A_99 = arith.constant 8 : i32
      %eq3A_100 = arith.constant 0 : i32
      %eq3A_101 = arith.cmpi eq, %jit3A_99, %eq3A_100 : i32
      %jit3A_102 = arith.constant 1 : i32
      %select_n3A_103 = arith.select %eq3A_101, %jit3A_102, %jit3A_99 : i32
      %rem3A_104 = arith.remsi %squeeze3A_70, %select_n3A_103 : i32
      %ne3A_105 = arith.constant 0 : i32
      %ne3A_106 = arith.cmpi ne, %rem3A_104, %ne3A_105 : i32
      %lt3A_107 = arith.constant 0 : i32
      %lt3A_108 = arith.cmpi slt, %rem3A_104, %lt3A_107 : i32
      %lt3A_109 = arith.constant 0 : i32
      %lt3A_110 = arith.cmpi slt, %select_n3A_103, %lt3A_109 : i32
      %ne3A_111 = arith.xori %lt3A_108, %lt3A_110 : i1
      %and3A_112 = arith.andi %ne3A_111, %ne3A_106 : i1
      %add3A_113 = arith.addi %rem3A_104, %select_n3A_103 : i32
      %select_n3A_114 = arith.select %and3A_112, %add3A_113, %rem3A_104 : i32
      %dma_start3A_115 = arith.constant 0 : i32
      %dma_start3A_116 = tpu.memref_slice %arg6[%add3A_74, %dma_start3A_115] : memref<512x64xf32, #tpu.memory_space<vmem>> -> memref<1x64xf32, #tpu.memory_space<vmem>>
      %dma_start3A_117 = arith.constant 0 : i32
      %dma_start3A_118 = arith.constant 0 : i32
      %dma_start3A_119 = tpu.memref_slice %arg3[%select_n3A_98, %dma_start3A_117, %dma_start3A_118] : memref<125000x8x64xf32, #tpu.memory_space<hbm>> -> memref<1x8x64xf32, #tpu.memory_space<hbm>>
      %dma_start3A_120 = tpu.memref_squeeze %dma_start3A_119 : memref<1x8x64xf32, #tpu.memory_space<hbm>> -> memref<8x64xf32, #tpu.memory_space<hbm>>
      %dma_start3A_121 = arith.constant 0 : i32
      %dma_start3A_122 = tpu.memref_slice %dma_start3A_120[%select_n3A_114, %dma_start3A_121] : memref<8x64xf32, #tpu.memory_space<hbm>> -> memref<1x64xf32, #tpu.memory_space<hbm>>
      %dma_start3A_123 = arith.constant 0 : i32
      %dma_start3A_124 = tpu.memref_slice %arg6[%add3A_74, %dma_start3A_123] : memref<512x64xf32, #tpu.memory_space<vmem>> -> memref<1x64xf32, #tpu.memory_space<vmem>>
      %dma_start3A_125 = arith.constant 0 : i32
      %dma_start3A_126 = arith.constant 0 : i32
      %dma_start3A_127 = tpu.memref_slice %arg3[%select_n3A_98, %dma_start3A_125, %dma_start3A_126] : memref<125000x8x64xf32, #tpu.memory_space<hbm>> -> memref<1x8x64xf32, #tpu.memory_space<hbm>>
      %dma_start3A_128 = tpu.memref_squeeze %dma_start3A_127 : memref<1x8x64xf32, #tpu.memory_space<hbm>> -> memref<8x64xf32, #tpu.memory_space<hbm>>
      %dma_start3A_129 = arith.constant 0 : i32
      %dma_start3A_130 = tpu.memref_slice %dma_start3A_128[%select_n3A_114, %dma_start3A_129] : memref<8x64xf32, #tpu.memory_space<hbm>> -> memref<1x64xf32, #tpu.memory_space<hbm>>
      tpu.enqueue_dma source(%dma_start3A_130 : memref<1x64xf32, #tpu.memory_space<hbm>>) target(%dma_start3A_124 : memref<1x64xf32, #tpu.memory_space<vmem>>) target_semaphore(%arg7 : memref<!tpu.dma_semaphore, #tpu.memory_space<semaphore_mem>>)
      %slice3A_131 = vector.extract_strided_slice %get3A_19 {offsets = [2], sizes = [1], strides = [1]} : vector<16xi32> to vector<1xi32>
      %squeeze3A_132 = vector.extract %slice3A_131[0] : i32 from vector<1xi32>
      %mul3A_133 = arith.constant 16 : i32
      %mul3A_134 = arith.muli %scan3A_14, %mul3A_133 : i32
      %add3A_135 = arith.constant 2 : i32
      %add3A_136 = arith.addi %mul3A_134, %add3A_135 : i32
      %jit3A_137 = arith.constant 8 : i32
      %div3A_138 = arith.divsi %squeeze3A_132, %jit3A_137 : i32
      %sign3A_139 = arith.constant 0 : i32
      %sign3A_140 = arith.cmpi sgt, %squeeze3A_132, %sign3A_139 : i32
      %sign3A_141 = arith.extui %sign3A_140 : i1 to i32
      %sign3A_142 = arith.constant 0 : i32
      %sign3A_143 = arith.cmpi slt, %squeeze3A_132, %sign3A_142 : i32
      %sign3A_144 = arith.extui %sign3A_143 : i1 to i32
      %sign3A_145 = arith.subi %sign3A_141, %sign3A_144 : i32
      %sign3A_146 = arith.constant 0 : i32
      %sign3A_147 = arith.cmpi sgt, %jit3A_137, %sign3A_146 : i32
      %sign3A_148 = arith.extui %sign3A_147 : i1 to i32
      %sign3A_149 = arith.constant 0 : i32
      %sign3A_150 = arith.cmpi slt, %jit3A_137, %sign3A_149 : i32
      %sign3A_151 = arith.extui %sign3A_150 : i1 to i32
      %sign3A_152 = arith.subi %sign3A_148, %sign3A_151 : i32
      %ne3A_153 = arith.cmpi ne, %sign3A_145, %sign3A_152 : i32
      %rem3A_154 = arith.remsi %squeeze3A_132, %jit3A_137 : i32
      %ne3A_155 = arith.constant 0 : i32
      %ne3A_156 = arith.cmpi ne, %rem3A_154, %ne3A_155 : i32
      %and3A_157 = arith.andi %ne3A_153, %ne3A_156 : i1
      %sub3A_158 = arith.constant 1 : i32
      %sub3A_159 = arith.subi %div3A_138, %sub3A_158 : i32
      %select_n3A_160 = arith.select %and3A_157, %sub3A_159, %div3A_138 : i32
      %jit3A_161 = arith.constant 8 : i32
      %eq3A_162 = arith.constant 0 : i32
      %eq3A_163 = arith.cmpi eq, %jit3A_161, %eq3A_162 : i32
      %jit3A_164 = arith.constant 1 : i32
      %select_n3A_165 = arith.select %eq3A_163, %jit3A_164, %jit3A_161 : i32
      %rem3A_166 = arith.remsi %squeeze3A_132, %select_n3A_165 : i32
      %ne3A_167 = arith.constant 0 : i32
      %ne3A_168 = arith.cmpi ne, %rem3A_166, %ne3A_167 : i32
      %lt3A_169 = arith.constant 0 : i32
      %lt3A_170 = arith.cmpi slt, %rem3A_166, %lt3A_169 : i32
      %lt3A_171 = arith.constant 0 : i32
      %lt3A_172 = arith.cmpi slt, %select_n3A_165, %lt3A_171 : i32
      %ne3A_173 = arith.xori %lt3A_170, %lt3A_172 : i1
      %and3A_174 = arith.andi %ne3A_173, %ne3A_168 : i1
      %add3A_175 = arith.addi %rem3A_166, %select_n3A_165 : i32
      %select_n3A_176 = arith.select %and3A_174, %add3A_175, %rem3A_166 : i32
      %dma_start3A_177 = arith.constant 0 : i32
      %dma_start3A_178 = tpu.memref_slice %arg6[%add3A_136, %dma_start3A_177] : memref<512x64xf32, #tpu.memory_space<vmem>> -> memref<1x64xf32, #tpu.memory_space<vmem>>
      %dma_start3A_179 = arith.constant 0 : i32
      %dma_start3A_180 = arith.constant 0 : i32
      %dma_start3A_181 = tpu.memref_slice %arg3[%select_n3A_160, %dma_start3A_179, %dma_start3A_180] : memref<125000x8x64xf32, #tpu.memory_space<hbm>> -> memref<1x8x64xf32, #tpu.memory_space<hbm>>
      %dma_start3A_182 = tpu.memref_squeeze %dma_start3A_181 : memref<1x8x64xf32, #tpu.memory_space<hbm>> -> memref<8x64xf32, #tpu.memory_space<hbm>>
      %dma_start3A_183 = arith.constant 0 : i32
      %dma_start3A_184 = tpu.memref_slice %dma_start3A_182[%select_n3A_176, %dma_start3A_183] : memref<8x64xf32, #tpu.memory_space<hbm>> -> memref<1x64xf32, #tpu.memory_space<hbm>>
      %dma_start3A_185 = arith.constant 0 : i32
      %dma_start3A_186 = tpu.memref_slice %arg6[%add3A_136, %dma_start3A_185] : memref<512x64xf32, #tpu.memory_space<vmem>> -> memref<1x64xf32, #tpu.memory_space<vmem>>
      %dma_start3A_187 = arith.constant 0 : i32
      %dma_start3A_188 = arith.constant 0 : i32
      %dma_start3A_189 = tpu.memref_slice %arg3[%select_n3A_160, %dma_start3A_187, %dma_start3A_188] : memref<125000x8x64xf32, #tpu.memory_space<hbm>> -> memref<1x8x64xf32, #tpu.memory_space<hbm>>
      %dma_start3A_190 = tpu.memref_squeeze %dma_start3A_189 : memref<1x8x64xf32, #tpu.memory_space<hbm>> -> memref<8x64xf32, #tpu.memory_space<hbm>>
      %dma_start3A_191 = arith.constant 0 : i32
      %dma_start3A_192 = tpu.memref_slice %dma_start3A_190[%select_n3A_176, %dma_start3A_191] : memref<8x64xf32, #tpu.memory_space<hbm>> -> memref<1x64xf32, #tpu.memory_space<hbm>>
      tpu.enqueue_dma source(%dma_start3A_192 : memref<1x64xf32, #tpu.memory_space<hbm>>) target(%dma_start3A_186 : memref<1x64xf32, #tpu.memory_space<vmem>>) target_semaphore(%arg7 : memref<!tpu.dma_semaphore, #tpu.memory_space<semaphore_mem>>)
      %slice3A_193 = vector.extract_strided_slice %get3A_19 {offsets = [3], sizes = [1], strides = [1]} : vector<16xi32> to vector<1xi32>
      %squeeze3A_194 = vector.extract %slice3A_193[0] : i32 from vector<1xi32>
      %mul3A_195 = arith.constant 16 : i32
      %mul3A_196 = arith.muli %scan3A_14, %mul3A_195 : i32
      %add3A_197 = arith.constant 3 : i32
      %add3A_198 = arith.addi %mul3A_196, %add3A_197 : i32
      %jit3A_199 = arith.constant 8 : i32
      %div3A_200 = arith.divsi %squeeze3A_194, %jit3A_199 : i32
      %sign3A_201 = arith.constant 0 : i32
      %sign3A_202 = arith.cmpi sgt, %squeeze3A_194, %sign3A_201 : i32
      %sign3A_203 = arith.extui %sign3A_202 : i1 to i32
      %sign3A_204 = arith.constant 0 : i32
      %sign3A_205 = arith.cmpi slt, %squeeze3A_194, %sign3A_204 : i32
      %sign3A_206 = arith.extui %sign3A_205 : i1 to i32
      %sign3A_207 = arith.subi %sign3A_203, %sign3A_206 : i32
      %sign3A_208 = arith.constant 0 : i32
      %sign3A_209 = arith.cmpi sgt, %jit3A_199, %sign3A_208 : i32
      %sign3A_210 = arith.extui %sign3A_209 : i1 to i32
      %sign3A_211 = arith.constant 0 : i32
      %sign3A_212 = arith.cmpi slt, %jit3A_199, %sign3A_211 : i32
      %sign3A_213 = arith.extui %sign3A_212 : i1 to i32
      %sign3A_214 = arith.subi %sign3A_210, %sign3A_213 : i32
      %ne3A_215 = arith.cmpi ne, %sign3A_207, %sign3A_214 : i32
      %rem3A_216 = arith.remsi %squeeze3A_194, %jit3A_199 : i32
      %ne3A_217 = arith.constant 0 : i32
      %ne3A_218 = arith.cmpi ne, %rem3A_216, %ne3A_217 : i32
      %and3A_219 = arith.andi %ne3A_215, %ne3A_218 : i1
      %sub3A_220 = arith.constant 1 : i32
      %sub3A_221 = arith.subi %div3A_200, %sub3A_220 : i32
      %select_n3A_222 = arith.select %and3A_219, %sub3A_221, %div3A_200 : i32
      %jit3A_223 = arith.constant 8 : i32
      %eq3A_224 = arith.constant 0 : i32
      %eq3A_225 = arith.cmpi eq, %jit3A_223, %eq3A_224 : i32
      %jit3A_226 = arith.constant 1 : i32
      %select_n3A_227 = arith.select %eq3A_225, %jit3A_226, %jit3A_223 : i32
      %rem3A_228 = arith.remsi %squeeze3A_194, %select_n3A_227 : i32
      %ne3A_229 = arith.constant 0 : i32
      %ne3A_230 = arith.cmpi ne, %rem3A_228, %ne3A_229 : i32
      %lt3A_231 = arith.constant 0 : i32
      %lt3A_232 = arith.cmpi slt, %rem3A_228, %lt3A_231 : i32
      %lt3A_233 = arith.constant 0 : i32
      %lt3A_234 = arith.cmpi slt, %select_n3A_227, %lt3A_233 : i32
      %ne3A_235 = arith.xori %lt3A_232, %lt3A_234 : i1
      %and3A_236 = arith.andi %ne3A_235, %ne3A_230 : i1
      %add3A_237 = arith.addi %rem3A_228, %select_n3A_227 : i32
      %select_n3A_238 = arith.select %and3A_236, %add3A_237, %rem3A_228 : i32
      %dma_start3A_239 = arith.constant 0 : i32
      %dma_start3A_240 = tpu.memref_slice %arg6[%add3A_198, %dma_start3A_239] : memref<512x64xf32, #tpu.memory_space<vmem>> -> memref<1x64xf32, #tpu.memory_space<vmem>>
      %dma_start3A_241 = arith.constant 0 : i32
      %dma_start3A_242 = arith.constant 0 : i32
      %dma_start3A_243 = tpu.memref_slice %arg3[%select_n3A_222, %dma_start3A_241, %dma_start3A_242] : memref<125000x8x64xf32, #tpu.memory_space<hbm>> -> memref<1x8x64xf32, #tpu.memory_space<hbm>>
      %dma_start3A_244 = tpu.memref_squeeze %dma_start3A_243 : memref<1x8x64xf32, #tpu.memory_space<hbm>> -> memref<8x64xf32, #tpu.memory_space<hbm>>
      %dma_start3A_245 = arith.constant 0 : i32
      %dma_start3A_246 = tpu.memref_slice %dma_start3A_244[%select_n3A_238, %dma_start3A_245] : memref<8x64xf32, #tpu.memory_space<hbm>> -> memref<1x64xf32, #tpu.memory_space<hbm>>
      %dma_start3A_247 = arith.constant 0 : i32
      %dma_start3A_248 = tpu.memref_slice %arg6[%add3A_198, %dma_start3A_247] : memref<512x64xf32, #tpu.memory_space<vmem>> -> memref<1x64xf32, #tpu.memory_space<vmem>>
      %dma_start3A_249 = arith.constant 0 : i32
      %dma_start3A_250 = arith.constant 0 : i32
      %dma_start3A_251 = tpu.memref_slice %arg3[%select_n3A_222, %dma_start3A_249, %dma_start3A_250] : memref<125000x8x64xf32, #tpu.memory_space<hbm>> -> memref<1x8x64xf32, #tpu.memory_space<hbm>>
      %dma_start3A_252 = tpu.memref_squeeze %dma_start3A_251 : memref<1x8x64xf32, #tpu.memory_space<hbm>> -> memref<8x64xf32, #tpu.memory_space<hbm>>
      %dma_start3A_253 = arith.constant 0 : i32
      %dma_start3A_254 = tpu.memref_slice %dma_start3A_252[%select_n3A_238, %dma_start3A_253] : memref<8x64xf32, #tpu.memory_space<hbm>> -> memref<1x64xf32, #tpu.memory_space<hbm>>
      tpu.enqueue_dma source(%dma_start3A_254 : memref<1x64xf32, #tpu.memory_space<hbm>>) target(%dma_start3A_248 : memref<1x64xf32, #tpu.memory_space<vmem>>) target_semaphore(%arg7 : memref<!tpu.dma_semaphore, #tpu.memory_space<semaphore_mem>>)
      %slice3A_255 = vector.extract_strided_slice %get3A_19 {offsets = [4], sizes = [1], strides = [1]} : vector<16xi32> to vector<1xi32>
      %squeeze3A_256 = vector.extract %slice3A_255[0] : i32 from vector<1xi32>
      %mul3A_257 = arith.constant 16 : i32
      %mul3A_258 = arith.muli %scan3A_14, %mul3A_257 : i32
      %add3A_259 = arith.constant 4 : i32
      %add3A_260 = arith.addi %mul3A_258, %add3A_259 : i32
      %jit3A_261 = arith.constant 8 : i32
      %div3A_262 = arith.divsi %squeeze3A_256, %jit3A_261 : i32
      %sign3A_263 = arith.constant 0 : i32
      %sign3A_264 = arith.cmpi sgt, %squeeze3A_256, %sign3A_263 : i32
      %sign3A_265 = arith.extui %sign3A_264 : i1 to i32
      %sign3A_266 = arith.constant 0 : i32
      %sign3A_267 = arith.cmpi slt, %squeeze3A_256, %sign3A_266 : i32
      %sign3A_268 = arith.extui %sign3A_267 : i1 to i32
      %sign3A_269 = arith.subi %sign3A_265, %sign3A_268 : i32
      %sign3A_270 = arith.constant 0 : i32
      %sign3A_271 = arith.cmpi sgt, %jit3A_261, %sign3A_270 : i32
      %sign3A_272 = arith.extui %sign3A_271 : i1 to i32
      %sign3A_273 = arith.constant 0 : i32
      %sign3A_274 = arith.cmpi slt, %jit3A_261, %sign3A_273 : i32
      %sign3A_275 = arith.extui %sign3A_274 : i1 to i32
      %sign3A_276 = arith.subi %sign3A_272, %sign3A_275 : i32
      %ne3A_277 = arith.cmpi ne, %sign3A_269, %sign3A_276 : i32
      %rem3A_278 = arith.remsi %squeeze3A_256, %jit3A_261 : i32
      %ne3A_279 = arith.constant 0 : i32
      %ne3A_280 = arith.cmpi ne, %rem3A_278, %ne3A_279 : i32
      %and3A_281 = arith.andi %ne3A_277, %ne3A_280 : i1
      %sub3A_282 = arith.constant 1 : i32
      %sub3A_283 = arith.subi %div3A_262, %sub3A_282 : i32
      %select_n3A_284 = arith.select %and3A_281, %sub3A_283, %div3A_262 : i32
      %jit3A_285 = arith.constant 8 : i32
      %eq3A_286 = arith.constant 0 : i32
      %eq3A_287 = arith.cmpi eq, %jit3A_285, %eq3A_286 : i32
      %jit3A_288 = arith.constant 1 : i32
      %select_n3A_289 = arith.select %eq3A_287, %jit3A_288, %jit3A_285 : i32
      %rem3A_290 = arith.remsi %squeeze3A_256, %select_n3A_289 : i32
      %ne3A_291 = arith.constant 0 : i32
      %ne3A_292 = arith.cmpi ne, %rem3A_290, %ne3A_291 : i32
      %lt3A_293 = arith.constant 0 : i32
      %lt3A_294 = arith.cmpi slt, %rem3A_290, %lt3A_293 : i32
      %lt3A_295 = arith.constant 0 : i32
      %lt3A_296 = arith.cmpi slt, %select_n3A_289, %lt3A_295 : i32
      %ne3A_297 = arith.xori %lt3A_294, %lt3A_296 : i1
      %and3A_298 = arith.andi %ne3A_297, %ne3A_292 : i1
      %add3A_299 = arith.addi %rem3A_290, %select_n3A_289 : i32
      %select_n3A_300 = arith.select %and3A_298, %add3A_299, %rem3A_290 : i32
      %dma_start3A_301 = arith.constant 0 : i32
      %dma_start3A_302 = tpu.memref_slice %arg6[%add3A_260, %dma_start3A_301] : memref<512x64xf32, #tpu.memory_space<vmem>> -> memref<1x64xf32, #tpu.memory_space<vmem>>
      %dma_start3A_303 = arith.constant 0 : i32
      %dma_start3A_304 = arith.constant 0 : i32
      %dma_start3A_305 = tpu.memref_slice %arg3[%select_n3A_284, %dma_start3A_303, %dma_start3A_304] : memref<125000x8x64xf32, #tpu.memory_space<hbm>> -> memref<1x8x64xf32, #tpu.memory_space<hbm>>
      %dma_start3A_306 = tpu.memref_squeeze %dma_start3A_305 : memref<1x8x64xf32, #tpu.memory_space<hbm>> -> memref<8x64xf32, #tpu.memory_space<hbm>>
      %dma_start3A_307 = arith.constant 0 : i32
      %dma_start3A_308 = tpu.memref_slice %dma_start3A_306[%select_n3A_300, %dma_start3A_307] : memref<8x64xf32, #tpu.memory_space<hbm>> -> memref<1x64xf32, #tpu.memory_space<hbm>>
      %dma_start3A_309 = arith.constant 0 : i32
      %dma_start3A_310 = tpu.memref_slice %arg6[%add3A_260, %dma_start3A_309] : memref<512x64xf32, #tpu.memory_space<vmem>> -> memref<1x64xf32, #tpu.memory_space<vmem>>
      %dma_start3A_311 = arith.constant 0 : i32
      %dma_start3A_312 = arith.constant 0 : i32
      %dma_start3A_313 = tpu.memref_slice %arg3[%select_n3A_284, %dma_start3A_311, %dma_start3A_312] : memref<125000x8x64xf32, #tpu.memory_space<hbm>> -> memref<1x8x64xf32, #tpu.memory_space<hbm>>
      %dma_start3A_314 = tpu.memref_squeeze %dma_start3A_313 : memref<1x8x64xf32, #tpu.memory_space<hbm>> -> memref<8x64xf32, #tpu.memory_space<hbm>>
      %dma_start3A_315 = arith.constant 0 : i32
      %dma_start3A_316 = tpu.memref_slice %dma_start3A_314[%select_n3A_300, %dma_start3A_315] : memref<8x64xf32, #tpu.memory_space<hbm>> -> memref<1x64xf32, #tpu.memory_space<hbm>>
      tpu.enqueue_dma source(%dma_start3A_316 : memref<1x64xf32, #tpu.memory_space<hbm>>) target(%dma_start3A_310 : memref<1x64xf32, #tpu.memory_space<vmem>>) target_semaphore(%arg7 : memref<!tpu.dma_semaphore, #tpu.memory_space<semaphore_mem>>)
      %slice3A_317 = vector.extract_strided_slice %get3A_19 {offsets = [5], sizes = [1], strides = [1]} : vector<16xi32> to vector<1xi32>
      %squeeze3A_318 = vector.extract %slice3A_317[0] : i32 from vector<1xi32>
      %mul3A_319 = arith.constant 16 : i32
      %mul3A_320 = arith.muli %scan3A_14, %mul3A_319 : i32
      %add3A_321 = arith.constant 5 : i32
      %add3A_322 = arith.addi %mul3A_320, %add3A_321 : i32
      %jit3A_323 = arith.constant 8 : i32
      %div3A_324 = arith.divsi %squeeze3A_318, %jit3A_323 : i32
      %sign3A_325 = arith.constant 0 : i32
      %sign3A_326 = arith.cmpi sgt, %squeeze3A_318, %sign3A_325 : i32
      %sign3A_327 = arith.extui %sign3A_326 : i1 to i32
      %sign3A_328 = arith.constant 0 : i32
      %sign3A_329 = arith.cmpi slt, %squeeze3A_318, %sign3A_328 : i32
      %sign3A_330 = arith.extui %sign3A_329 : i1 to i32
      %sign3A_331 = arith.subi %sign3A_327, %sign3A_330 : i32
      %sign3A_332 = arith.constant 0 : i32
      %sign3A_333 = arith.cmpi sgt, %jit3A_323, %sign3A_332 : i32
      %sign3A_334 = arith.extui %sign3A_333 : i1 to i32
      %sign3A_335 = arith.constant 0 : i32
      %sign3A_336 = arith.cmpi slt, %jit3A_323, %sign3A_335 : i32
      %sign3A_337 = arith.extui %sign3A_336 : i1 to i32
      %sign3A_338 = arith.subi %sign3A_334, %sign3A_337 : i32
      %ne3A_339 = arith.cmpi ne, %sign3A_331, %sign3A_338 : i32
      %rem3A_340 = arith.remsi %squeeze3A_318, %jit3A_323 : i32
      %ne3A_341 = arith.constant 0 : i32
      %ne3A_342 = arith.cmpi ne, %rem3A_340, %ne3A_341 : i32
      %and3A_343 = arith.andi %ne3A_339, %ne3A_342 : i1
      %sub3A_344 = arith.constant 1 : i32
      %sub3A_345 = arith.subi %div3A_324, %sub3A_344 : i32
      %select_n3A_346 = arith.select %and3A_343, %sub3A_345, %div3A_324 : i32
      %jit3A_347 = arith.constant 8 : i32
      %eq3A_348 = arith.constant 0 : i32
      %eq3A_349 = arith.cmpi eq, %jit3A_347, %eq3A_348 : i32
      %jit3A_350 = arith.constant 1 : i32
      %select_n3A_351 = arith.select %eq3A_349, %jit3A_350, %jit3A_347 : i32
      %rem3A_352 = arith.remsi %squeeze3A_318, %select_n3A_351 : i32
      %ne3A_353 = arith.constant 0 : i32
      %ne3A_354 = arith.cmpi ne, %rem3A_352, %ne3A_353 : i32
      %lt3A_355 = arith.constant 0 : i32
      %lt3A_356 = arith.cmpi slt, %rem3A_352, %lt3A_355 : i32
      %lt3A_357 = arith.constant 0 : i32
      %lt3A_358 = arith.cmpi slt, %select_n3A_351, %lt3A_357 : i32
      %ne3A_359 = arith.xori %lt3A_356, %lt3A_358 : i1
      %and3A_360 = arith.andi %ne3A_359, %ne3A_354 : i1
      %add3A_361 = arith.addi %rem3A_352, %select_n3A_351 : i32
      %select_n3A_362 = arith.select %and3A_360, %add3A_361, %rem3A_352 : i32
      %dma_start3A_363 = arith.constant 0 : i32
      %dma_start3A_364 = tpu.memref_slice %arg6[%add3A_322, %dma_start3A_363] : memref<512x64xf32, #tpu.memory_space<vmem>> -> memref<1x64xf32, #tpu.memory_space<vmem>>
      %dma_start3A_365 = arith.constant 0 : i32
      %dma_start3A_366 = arith.constant 0 : i32
      %dma_start3A_367 = tpu.memref_slice %arg3[%select_n3A_346, %dma_start3A_365, %dma_start3A_366] : memref<125000x8x64xf32, #tpu.memory_space<hbm>> -> memref<1x8x64xf32, #tpu.memory_space<hbm>>
      %dma_start3A_368 = tpu.memref_squeeze %dma_start3A_367 : memref<1x8x64xf32, #tpu.memory_space<hbm>> -> memref<8x64xf32, #tpu.memory_space<hbm>>
      %dma_start3A_369 = arith.constant 0 : i32
      %dma_start3A_370 = tpu.memref_slice %dma_start3A_368[%select_n3A_362, %dma_start3A_369] : memref<8x64xf32, #tpu.memory_space<hbm>> -> memref<1x64xf32, #tpu.memory_space<hbm>>
      %dma_start3A_371 = arith.constant 0 : i32
      %dma_start3A_372 = tpu.memref_slice %arg6[%add3A_322, %dma_start3A_371] : memref<512x64xf32, #tpu.memory_space<vmem>> -> memref<1x64xf32, #tpu.memory_space<vmem>>
      %dma_start3A_373 = arith.constant 0 : i32
      %dma_start3A_374 = arith.constant 0 : i32
      %dma_start3A_375 = tpu.memref_slice %arg3[%select_n3A_346, %dma_start3A_373, %dma_start3A_374] : memref<125000x8x64xf32, #tpu.memory_space<hbm>> -> memref<1x8x64xf32, #tpu.memory_space<hbm>>
      %dma_start3A_376 = tpu.memref_squeeze %dma_start3A_375 : memref<1x8x64xf32, #tpu.memory_space<hbm>> -> memref<8x64xf32, #tpu.memory_space<hbm>>
      %dma_start3A_377 = arith.constant 0 : i32
      %dma_start3A_378 = tpu.memref_slice %dma_start3A_376[%select_n3A_362, %dma_start3A_377] : memref<8x64xf32, #tpu.memory_space<hbm>> -> memref<1x64xf32, #tpu.memory_space<hbm>>
      tpu.enqueue_dma source(%dma_start3A_378 : memref<1x64xf32, #tpu.memory_space<hbm>>) target(%dma_start3A_372 : memref<1x64xf32, #tpu.memory_space<vmem>>) target_semaphore(%arg7 : memref<!tpu.dma_semaphore, #tpu.memory_space<semaphore_mem>>)
      %slice3A_379 = vector.extract_strided_slice %get3A_19 {offsets = [6], sizes = [1], strides = [1]} : vector<16xi32> to vector<1xi32>
      %squeeze3A_380 = vector.extract %slice3A_379[0] : i32 from vector<1xi32>
      %mul3A_381 = arith.constant 16 : i32
      %mul3A_382 = arith.muli %scan3A_14, %mul3A_381 : i32
      %add3A_383 = arith.constant 6 : i32
      %add3A_384 = arith.addi %mul3A_382, %add3A_383 : i32
      %jit3A_385 = arith.constant 8 : i32
      %div3A_386 = arith.divsi %squeeze3A_380, %jit3A_385 : i32
      %sign3A_387 = arith.constant 0 : i32
      %sign3A_388 = arith.cmpi sgt, %squeeze3A_380, %sign3A_387 : i32
      %sign3A_389 = arith.extui %sign3A_388 : i1 to i32
      %sign3A_390 = arith.constant 0 : i32
      %sign3A_391 = arith.cmpi slt, %squeeze3A_380, %sign3A_390 : i32
      %sign3A_392 = arith.extui %sign3A_391 : i1 to i32
      %sign3A_393 = arith.subi %sign3A_389, %sign3A_392 : i32
      %sign3A_394 = arith.constant 0 : i32
      %sign3A_395 = arith.cmpi sgt, %jit3A_385, %sign3A_394 : i32
      %sign3A_396 = arith.extui %sign3A_395 : i1 to i32
      %sign3A_397 = arith.constant 0 : i32
      %sign3A_398 = arith.cmpi slt, %jit3A_385, %sign3A_397 : i32
      %sign3A_399 = arith.extui %sign3A_398 : i1 to i32
      %sign3A_400 = arith.subi %sign3A_396, %sign3A_399 : i32
      %ne3A_401 = arith.cmpi ne, %sign3A_393, %sign3A_400 : i32
      %rem3A_402 = arith.remsi %squeeze3A_380, %jit3A_385 : i32
      %ne3A_403 = arith.constant 0 : i32
      %ne3A_404 = arith.cmpi ne, %rem3A_402, %ne3A_403 : i32
      %and3A_405 = arith.andi %ne3A_401, %ne3A_404 : i1
      %sub3A_406 = arith.constant 1 : i32
      %sub3A_407 = arith.subi %div3A_386, %sub3A_406 : i32
      %select_n3A_408 = arith.select %and3A_405, %sub3A_407, %div3A_386 : i32
      %jit3A_409 = arith.constant 8 : i32
      %eq3A_410 = arith.constant 0 : i32
      %eq3A_411 = arith.cmpi eq, %jit3A_409, %eq3A_410 : i32
      %jit3A_412 = arith.constant 1 : i32
      %select_n3A_413 = arith.select %eq3A_411, %jit3A_412, %jit3A_409 : i32
      %rem3A_414 = arith.remsi %squeeze3A_380, %select_n3A_413 : i32
      %ne3A_415 = arith.constant 0 : i32
      %ne3A_416 = arith.cmpi ne, %rem3A_414, %ne3A_415 : i32
      %lt3A_417 = arith.constant 0 : i32
      %lt3A_418 = arith.cmpi slt, %rem3A_414, %lt3A_417 : i32
      %lt3A_419 = arith.constant 0 : i32
      %lt3A_420 = arith.cmpi slt, %select_n3A_413, %lt3A_419 : i32
      %ne3A_421 = arith.xori %lt3A_418, %lt3A_420 : i1
      %and3A_422 = arith.andi %ne3A_421, %ne3A_416 : i1
      %add3A_423 = arith.addi %rem3A_414, %select_n3A_413 : i32
      %select_n3A_424 = arith.select %and3A_422, %add3A_423, %rem3A_414 : i32
      %dma_start3A_425 = arith.constant 0 : i32
      %dma_start3A_426 = tpu.memref_slice %arg6[%add3A_384, %dma_start3A_425] : memref<512x64xf32, #tpu.memory_space<vmem>> -> memref<1x64xf32, #tpu.memory_space<vmem>>
      %dma_start3A_427 = arith.constant 0 : i32
      %dma_start3A_428 = arith.constant 0 : i32
      %dma_start3A_429 = tpu.memref_slice %arg3[%select_n3A_408, %dma_start3A_427, %dma_start3A_428] : memref<125000x8x64xf32, #tpu.memory_space<hbm>> -> memref<1x8x64xf32, #tpu.memory_space<hbm>>
      %dma_start3A_430 = tpu.memref_squeeze %dma_start3A_429 : memref<1x8x64xf32, #tpu.memory_space<hbm>> -> memref<8x64xf32, #tpu.memory_space<hbm>>
      %dma_start3A_431 = arith.constant 0 : i32
      %dma_start3A_432 = tpu.memref_slice %dma_start3A_430[%select_n3A_424, %dma_start3A_431] : memref<8x64xf32, #tpu.memory_space<hbm>> -> memref<1x64xf32, #tpu.memory_space<hbm>>
      %dma_start3A_433 = arith.constant 0 : i32
      %dma_start3A_434 = tpu.memref_slice %arg6[%add3A_384, %dma_start3A_433] : memref<512x64xf32, #tpu.memory_space<vmem>> -> memref<1x64xf32, #tpu.memory_space<vmem>>
      %dma_start3A_435 = arith.constant 0 : i32
      %dma_start3A_436 = arith.constant 0 : i32
      %dma_start3A_437 = tpu.memref_slice %arg3[%select_n3A_408, %dma_start3A_435, %dma_start3A_436] : memref<125000x8x64xf32, #tpu.memory_space<hbm>> -> memref<1x8x64xf32, #tpu.memory_space<hbm>>
      %dma_start3A_438 = tpu.memref_squeeze %dma_start3A_437 : memref<1x8x64xf32, #tpu.memory_space<hbm>> -> memref<8x64xf32, #tpu.memory_space<hbm>>
      %dma_start3A_439 = arith.constant 0 : i32
      %dma_start3A_440 = tpu.memref_slice %dma_start3A_438[%select_n3A_424, %dma_start3A_439] : memref<8x64xf32, #tpu.memory_space<hbm>> -> memref<1x64xf32, #tpu.memory_space<hbm>>
      tpu.enqueue_dma source(%dma_start3A_440 : memref<1x64xf32, #tpu.memory_space<hbm>>) target(%dma_start3A_434 : memref<1x64xf32, #tpu.memory_space<vmem>>) target_semaphore(%arg7 : memref<!tpu.dma_semaphore, #tpu.memory_space<semaphore_mem>>)
      %slice3A_441 = vector.extract_strided_slice %get3A_19 {offsets = [7], sizes = [1], strides = [1]} : vector<16xi32> to vector<1xi32>
      %squeeze3A_442 = vector.extract %slice3A_441[0] : i32 from vector<1xi32>
      %mul3A_443 = arith.constant 16 : i32
      %mul3A_444 = arith.muli %scan3A_14, %mul3A_443 : i32
      %add3A_445 = arith.constant 7 : i32
      %add3A_446 = arith.addi %mul3A_444, %add3A_445 : i32
      %jit3A_447 = arith.constant 8 : i32
      %div3A_448 = arith.divsi %squeeze3A_442, %jit3A_447 : i32
      %sign3A_449 = arith.constant 0 : i32
      %sign3A_450 = arith.cmpi sgt, %squeeze3A_442, %sign3A_449 : i32
      %sign3A_451 = arith.extui %sign3A_450 : i1 to i32
      %sign3A_452 = arith.constant 0 : i32
      %sign3A_453 = arith.cmpi slt, %squeeze3A_442, %sign3A_452 : i32
      %sign3A_454 = arith.extui %sign3A_453 : i1 to i32
      %sign3A_455 = arith.subi %sign3A_451, %sign3A_454 : i32
      %sign3A_456 = arith.constant 0 : i32
      %sign3A_457 = arith.cmpi sgt, %jit3A_447, %sign3A_456 : i32
      %sign3A_458 = arith.extui %sign3A_457 : i1 to i32
      %sign3A_459 = arith.constant 0 : i32
      %sign3A_460 = arith.cmpi slt, %jit3A_447, %sign3A_459 : i32
      %sign3A_461 = arith.extui %sign3A_460 : i1 to i32
      %sign3A_462 = arith.subi %sign3A_458, %sign3A_461 : i32
      %ne3A_463 = arith.cmpi ne, %sign3A_455, %sign3A_462 : i32
      %rem3A_464 = arith.remsi %squeeze3A_442, %jit3A_447 : i32
      %ne3A_465 = arith.constant 0 : i32
      %ne3A_466 = arith.cmpi ne, %rem3A_464, %ne3A_465 : i32
      %and3A_467 = arith.andi %ne3A_463, %ne3A_466 : i1
      %sub3A_468 = arith.constant 1 : i32
      %sub3A_469 = arith.subi %div3A_448, %sub3A_468 : i32
      %select_n3A_470 = arith.select %and3A_467, %sub3A_469, %div3A_448 : i32
      %jit3A_471 = arith.constant 8 : i32
      %eq3A_472 = arith.constant 0 : i32
      %eq3A_473 = arith.cmpi eq, %jit3A_471, %eq3A_472 : i32
      %jit3A_474 = arith.constant 1 : i32
      %select_n3A_475 = arith.select %eq3A_473, %jit3A_474, %jit3A_471 : i32
      %rem3A_476 = arith.remsi %squeeze3A_442, %select_n3A_475 : i32
      %ne3A_477 = arith.constant 0 : i32
      %ne3A_478 = arith.cmpi ne, %rem3A_476, %ne3A_477 : i32
      %lt3A_479 = arith.constant 0 : i32
      %lt3A_480 = arith.cmpi slt, %rem3A_476, %lt3A_479 : i32
      %lt3A_481 = arith.constant 0 : i32
      %lt3A_482 = arith.cmpi slt, %select_n3A_475, %lt3A_481 : i32
      %ne3A_483 = arith.xori %lt3A_480, %lt3A_482 : i1
      %and3A_484 = arith.andi %ne3A_483, %ne3A_478 : i1
      %add3A_485 = arith.addi %rem3A_476, %select_n3A_475 : i32
      %select_n3A_486 = arith.select %and3A_484, %add3A_485, %rem3A_476 : i32
      %dma_start3A_487 = arith.constant 0 : i32
      %dma_start3A_488 = tpu.memref_slice %arg6[%add3A_446, %dma_start3A_487] : memref<512x64xf32, #tpu.memory_space<vmem>> -> memref<1x64xf32, #tpu.memory_space<vmem>>
      %dma_start3A_489 = arith.constant 0 : i32
      %dma_start3A_490 = arith.constant 0 : i32
      %dma_start3A_491 = tpu.memref_slice %arg3[%select_n3A_470, %dma_start3A_489, %dma_start3A_490] : memref<125000x8x64xf32, #tpu.memory_space<hbm>> -> memref<1x8x64xf32, #tpu.memory_space<hbm>>
      %dma_start3A_492 = tpu.memref_squeeze %dma_start3A_491 : memref<1x8x64xf32, #tpu.memory_space<hbm>> -> memref<8x64xf32, #tpu.memory_space<hbm>>
      %dma_start3A_493 = arith.constant 0 : i32
      %dma_start3A_494 = tpu.memref_slice %dma_start3A_492[%select_n3A_486, %dma_start3A_493] : memref<8x64xf32, #tpu.memory_space<hbm>> -> memref<1x64xf32, #tpu.memory_space<hbm>>
      %dma_start3A_495 = arith.constant 0 : i32
      %dma_start3A_496 = tpu.memref_slice %arg6[%add3A_446, %dma_start3A_495] : memref<512x64xf32, #tpu.memory_space<vmem>> -> memref<1x64xf32, #tpu.memory_space<vmem>>
      %dma_start3A_497 = arith.constant 0 : i32
      %dma_start3A_498 = arith.constant 0 : i32
      %dma_start3A_499 = tpu.memref_slice %arg3[%select_n3A_470, %dma_start3A_497, %dma_start3A_498] : memref<125000x8x64xf32, #tpu.memory_space<hbm>> -> memref<1x8x64xf32, #tpu.memory_space<hbm>>
      %dma_start3A_500 = tpu.memref_squeeze %dma_start3A_499 : memref<1x8x64xf32, #tpu.memory_space<hbm>> -> memref<8x64xf32, #tpu.memory_space<hbm>>
      %dma_start3A_501 = arith.constant 0 : i32
      %dma_start3A_502 = tpu.memref_slice %dma_start3A_500[%select_n3A_486, %dma_start3A_501] : memref<8x64xf32, #tpu.memory_space<hbm>> -> memref<1x64xf32, #tpu.memory_space<hbm>>
      tpu.enqueue_dma source(%dma_start3A_502 : memref<1x64xf32, #tpu.memory_space<hbm>>) target(%dma_start3A_496 : memref<1x64xf32, #tpu.memory_space<vmem>>) target_semaphore(%arg7 : memref<!tpu.dma_semaphore, #tpu.memory_space<semaphore_mem>>)
      %slice3A_503 = vector.extract_strided_slice %get3A_19 {offsets = [8], sizes = [1], strides = [1]} : vector<16xi32> to vector<1xi32>
      %squeeze3A_504 = vector.extract %slice3A_503[0] : i32 from vector<1xi32>
      %mul3A_505 = arith.constant 16 : i32
      %mul3A_506 = arith.muli %scan3A_14, %mul3A_505 : i32
      %add3A_507 = arith.constant 8 : i32
      %add3A_508 = arith.addi %mul3A_506, %add3A_507 : i32
      %jit3A_509 = arith.constant 8 : i32
      %div3A_510 = arith.divsi %squeeze3A_504, %jit3A_509 : i32
      %sign3A_511 = arith.constant 0 : i32
      %sign3A_512 = arith.cmpi sgt, %squeeze3A_504, %sign3A_511 : i32
      %sign3A_513 = arith.extui %sign3A_512 : i1 to i32
      %sign3A_514 = arith.constant 0 : i32
      %sign3A_515 = arith.cmpi slt, %squeeze3A_504, %sign3A_514 : i32
      %sign3A_516 = arith.extui %sign3A_515 : i1 to i32
      %sign3A_517 = arith.subi %sign3A_513, %sign3A_516 : i32
      %sign3A_518 = arith.constant 0 : i32
      %sign3A_519 = arith.cmpi sgt, %jit3A_509, %sign3A_518 : i32
      %sign3A_520 = arith.extui %sign3A_519 : i1 to i32
      %sign3A_521 = arith.constant 0 : i32
      %sign3A_522 = arith.cmpi slt, %jit3A_509, %sign3A_521 : i32
      %sign3A_523 = arith.extui %sign3A_522 : i1 to i32
      %sign3A_524 = arith.subi %sign3A_520, %sign3A_523 : i32
      %ne3A_525 = arith.cmpi ne, %sign3A_517, %sign3A_524 : i32
      %rem3A_526 = arith.remsi %squeeze3A_504, %jit3A_509 : i32
      %ne3A_527 = arith.constant 0 : i32
      %ne3A_528 = arith.cmpi ne, %rem3A_526, %ne3A_527 : i32
      %and3A_529 = arith.andi %ne3A_525, %ne3A_528 : i1
      %sub3A_530 = arith.constant 1 : i32
      %sub3A_531 = arith.subi %div3A_510, %sub3A_530 : i32
      %select_n3A_532 = arith.select %and3A_529, %sub3A_531, %div3A_510 : i32
      %jit3A_533 = arith.constant 8 : i32
      %eq3A_534 = arith.constant 0 : i32
      %eq3A_535 = arith.cmpi eq, %jit3A_533, %eq3A_534 : i32
      %jit3A_536 = arith.constant 1 : i32
      %select_n3A_537 = arith.select %eq3A_535, %jit3A_536, %jit3A_533 : i32
      %rem3A_538 = arith.remsi %squeeze3A_504, %select_n3A_537 : i32
      %ne3A_539 = arith.constant 0 : i32
      %ne3A_540 = arith.cmpi ne, %rem3A_538, %ne3A_539 : i32
      %lt3A_541 = arith.constant 0 : i32
      %lt3A_542 = arith.cmpi slt, %rem3A_538, %lt3A_541 : i32
      %lt3A_543 = arith.constant 0 : i32
      %lt3A_544 = arith.cmpi slt, %select_n3A_537, %lt3A_543 : i32
      %ne3A_545 = arith.xori %lt3A_542, %lt3A_544 : i1
      %and3A_546 = arith.andi %ne3A_545, %ne3A_540 : i1
      %add3A_547 = arith.addi %rem3A_538, %select_n3A_537 : i32
      %select_n3A_548 = arith.select %and3A_546, %add3A_547, %rem3A_538 : i32
      %dma_start3A_549 = arith.constant 0 : i32
      %dma_start3A_550 = tpu.memref_slice %arg6[%add3A_508, %dma_start3A_549] : memref<512x64xf32, #tpu.memory_space<vmem>> -> memref<1x64xf32, #tpu.memory_space<vmem>>
      %dma_start3A_551 = arith.constant 0 : i32
      %dma_start3A_552 = arith.constant 0 : i32
      %dma_start3A_553 = tpu.memref_slice %arg3[%select_n3A_532, %dma_start3A_551, %dma_start3A_552] : memref<125000x8x64xf32, #tpu.memory_space<hbm>> -> memref<1x8x64xf32, #tpu.memory_space<hbm>>
      %dma_start3A_554 = tpu.memref_squeeze %dma_start3A_553 : memref<1x8x64xf32, #tpu.memory_space<hbm>> -> memref<8x64xf32, #tpu.memory_space<hbm>>
      %dma_start3A_555 = arith.constant 0 : i32
      %dma_start3A_556 = tpu.memref_slice %dma_start3A_554[%select_n3A_548, %dma_start3A_555] : memref<8x64xf32, #tpu.memory_space<hbm>> -> memref<1x64xf32, #tpu.memory_space<hbm>>
      %dma_start3A_557 = arith.constant 0 : i32
      %dma_start3A_558 = tpu.memref_slice %arg6[%add3A_508, %dma_start3A_557] : memref<512x64xf32, #tpu.memory_space<vmem>> -> memref<1x64xf32, #tpu.memory_space<vmem>>
      %dma_start3A_559 = arith.constant 0 : i32
      %dma_start3A_560 = arith.constant 0 : i32
      %dma_start3A_561 = tpu.memref_slice %arg3[%select_n3A_532, %dma_start3A_559, %dma_start3A_560] : memref<125000x8x64xf32, #tpu.memory_space<hbm>> -> memref<1x8x64xf32, #tpu.memory_space<hbm>>
      %dma_start3A_562 = tpu.memref_squeeze %dma_start3A_561 : memref<1x8x64xf32, #tpu.memory_space<hbm>> -> memref<8x64xf32, #tpu.memory_space<hbm>>
      %dma_start3A_563 = arith.constant 0 : i32
      %dma_start3A_564 = tpu.memref_slice %dma_start3A_562[%select_n3A_548, %dma_start3A_563] : memref<8x64xf32, #tpu.memory_space<hbm>> -> memref<1x64xf32, #tpu.memory_space<hbm>>
      tpu.enqueue_dma source(%dma_start3A_564 : memref<1x64xf32, #tpu.memory_space<hbm>>) target(%dma_start3A_558 : memref<1x64xf32, #tpu.memory_space<vmem>>) target_semaphore(%arg7 : memref<!tpu.dma_semaphore, #tpu.memory_space<semaphore_mem>>)
      %slice3A_565 = vector.extract_strided_slice %get3A_19 {offsets = [9], sizes = [1], strides = [1]} : vector<16xi32> to vector<1xi32>
      %squeeze3A_566 = vector.extract %slice3A_565[0] : i32 from vector<1xi32>
      %mul3A_567 = arith.constant 16 : i32
      %mul3A_568 = arith.muli %scan3A_14, %mul3A_567 : i32
      %add3A_569 = arith.constant 9 : i32
      %add3A_570 = arith.addi %mul3A_568, %add3A_569 : i32
      %jit3A_571 = arith.constant 8 : i32
      %div3A_572 = arith.divsi %squeeze3A_566, %jit3A_571 : i32
      %sign3A_573 = arith.constant 0 : i32
      %sign3A_574 = arith.cmpi sgt, %squeeze3A_566, %sign3A_573 : i32
      %sign3A_575 = arith.extui %sign3A_574 : i1 to i32
      %sign3A_576 = arith.constant 0 : i32
      %sign3A_577 = arith.cmpi slt, %squeeze3A_566, %sign3A_576 : i32
      %sign3A_578 = arith.extui %sign3A_577 : i1 to i32
      %sign3A_579 = arith.subi %sign3A_575, %sign3A_578 : i32
      %sign3A_580 = arith.constant 0 : i32
      %sign3A_581 = arith.cmpi sgt, %jit3A_571, %sign3A_580 : i32
      %sign3A_582 = arith.extui %sign3A_581 : i1 to i32
      %sign3A_583 = arith.constant 0 : i32
      %sign3A_584 = arith.cmpi slt, %jit3A_571, %sign3A_583 : i32
      %sign3A_585 = arith.extui %sign3A_584 : i1 to i32
      %sign3A_586 = arith.subi %sign3A_582, %sign3A_585 : i32
      %ne3A_587 = arith.cmpi ne, %sign3A_579, %sign3A_586 : i32
      %rem3A_588 = arith.remsi %squeeze3A_566, %jit3A_571 : i32
      %ne3A_589 = arith.constant 0 : i32
      %ne3A_590 = arith.cmpi ne, %rem3A_588, %ne3A_589 : i32
      %and3A_591 = arith.andi %ne3A_587, %ne3A_590 : i1
      %sub3A_592 = arith.constant 1 : i32
      %sub3A_593 = arith.subi %div3A_572, %sub3A_592 : i32
      %select_n3A_594 = arith.select %and3A_591, %sub3A_593, %div3A_572 : i32
      %jit3A_595 = arith.constant 8 : i32
      %eq3A_596 = arith.constant 0 : i32
      %eq3A_597 = arith.cmpi eq, %jit3A_595, %eq3A_596 : i32
      %jit3A_598 = arith.constant 1 : i32
      %select_n3A_599 = arith.select %eq3A_597, %jit3A_598, %jit3A_595 : i32
      %rem3A_600 = arith.remsi %squeeze3A_566, %select_n3A_599 : i32
      %ne3A_601 = arith.constant 0 : i32
      %ne3A_602 = arith.cmpi ne, %rem3A_600, %ne3A_601 : i32
      %lt3A_603 = arith.constant 0 : i32
      %lt3A_604 = arith.cmpi slt, %rem3A_600, %lt3A_603 : i32
      %lt3A_605 = arith.constant 0 : i32
      %lt3A_606 = arith.cmpi slt, %select_n3A_599, %lt3A_605 : i32
      %ne3A_607 = arith.xori %lt3A_604, %lt3A_606 : i1
      %and3A_608 = arith.andi %ne3A_607, %ne3A_602 : i1
      %add3A_609 = arith.addi %rem3A_600, %select_n3A_599 : i32
      %select_n3A_610 = arith.select %and3A_608, %add3A_609, %rem3A_600 : i32
      %dma_start3A_611 = arith.constant 0 : i32
      %dma_start3A_612 = tpu.memref_slice %arg6[%add3A_570, %dma_start3A_611] : memref<512x64xf32, #tpu.memory_space<vmem>> -> memref<1x64xf32, #tpu.memory_space<vmem>>
      %dma_start3A_613 = arith.constant 0 : i32
      %dma_start3A_614 = arith.constant 0 : i32
      %dma_start3A_615 = tpu.memref_slice %arg3[%select_n3A_594, %dma_start3A_613, %dma_start3A_614] : memref<125000x8x64xf32, #tpu.memory_space<hbm>> -> memref<1x8x64xf32, #tpu.memory_space<hbm>>
      %dma_start3A_616 = tpu.memref_squeeze %dma_start3A_615 : memref<1x8x64xf32, #tpu.memory_space<hbm>> -> memref<8x64xf32, #tpu.memory_space<hbm>>
      %dma_start3A_617 = arith.constant 0 : i32
      %dma_start3A_618 = tpu.memref_slice %dma_start3A_616[%select_n3A_610, %dma_start3A_617] : memref<8x64xf32, #tpu.memory_space<hbm>> -> memref<1x64xf32, #tpu.memory_space<hbm>>
      %dma_start3A_619 = arith.constant 0 : i32
      %dma_start3A_620 = tpu.memref_slice %arg6[%add3A_570, %dma_start3A_619] : memref<512x64xf32, #tpu.memory_space<vmem>> -> memref<1x64xf32, #tpu.memory_space<vmem>>
      %dma_start3A_621 = arith.constant 0 : i32
      %dma_start3A_622 = arith.constant 0 : i32
      %dma_start3A_623 = tpu.memref_slice %arg3[%select_n3A_594, %dma_start3A_621, %dma_start3A_622] : memref<125000x8x64xf32, #tpu.memory_space<hbm>> -> memref<1x8x64xf32, #tpu.memory_space<hbm>>
      %dma_start3A_624 = tpu.memref_squeeze %dma_start3A_623 : memref<1x8x64xf32, #tpu.memory_space<hbm>> -> memref<8x64xf32, #tpu.memory_space<hbm>>
      %dma_start3A_625 = arith.constant 0 : i32
      %dma_start3A_626 = tpu.memref_slice %dma_start3A_624[%select_n3A_610, %dma_start3A_625] : memref<8x64xf32, #tpu.memory_space<hbm>> -> memref<1x64xf32, #tpu.memory_space<hbm>>
      tpu.enqueue_dma source(%dma_start3A_626 : memref<1x64xf32, #tpu.memory_space<hbm>>) target(%dma_start3A_620 : memref<1x64xf32, #tpu.memory_space<vmem>>) target_semaphore(%arg7 : memref<!tpu.dma_semaphore, #tpu.memory_space<semaphore_mem>>)
      %slice3A_627 = vector.extract_strided_slice %get3A_19 {offsets = [10], sizes = [1], strides = [1]} : vector<16xi32> to vector<1xi32>
      %squeeze3A_628 = vector.extract %slice3A_627[0] : i32 from vector<1xi32>
      %mul3A_629 = arith.constant 16 : i32
      %mul3A_630 = arith.muli %scan3A_14, %mul3A_629 : i32
      %add3A_631 = arith.constant 10 : i32
      %add3A_632 = arith.addi %mul3A_630, %add3A_631 : i32
      %jit3A_633 = arith.constant 8 : i32
      %div3A_634 = arith.divsi %squeeze3A_628, %jit3A_633 : i32
      %sign3A_635 = arith.constant 0 : i32
      %sign3A_636 = arith.cmpi sgt, %squeeze3A_628, %sign3A_635 : i32
      %sign3A_637 = arith.extui %sign3A_636 : i1 to i32
      %sign3A_638 = arith.constant 0 : i32
      %sign3A_639 = arith.cmpi slt, %squeeze3A_628, %sign3A_638 : i32
      %sign3A_640 = arith.extui %sign3A_639 : i1 to i32
      %sign3A_641 = arith.subi %sign3A_637, %sign3A_640 : i32
      %sign3A_642 = arith.constant 0 : i32
      %sign3A_643 = arith.cmpi sgt, %jit3A_633, %sign3A_642 : i32
      %sign3A_644 = arith.extui %sign3A_643 : i1 to i32
      %sign3A_645 = arith.constant 0 : i32
      %sign3A_646 = arith.cmpi slt, %jit3A_633, %sign3A_645 : i32
      %sign3A_647 = arith.extui %sign3A_646 : i1 to i32
      %sign3A_648 = arith.subi %sign3A_644, %sign3A_647 : i32
      %ne3A_649 = arith.cmpi ne, %sign3A_641, %sign3A_648 : i32
      %rem3A_650 = arith.remsi %squeeze3A_628, %jit3A_633 : i32
      %ne3A_651 = arith.constant 0 : i32
      %ne3A_652 = arith.cmpi ne, %rem3A_650, %ne3A_651 : i32
      %and3A_653 = arith.andi %ne3A_649, %ne3A_652 : i1
      %sub3A_654 = arith.constant 1 : i32
      %sub3A_655 = arith.subi %div3A_634, %sub3A_654 : i32
      %select_n3A_656 = arith.select %and3A_653, %sub3A_655, %div3A_634 : i32
      %jit3A_657 = arith.constant 8 : i32
      %eq3A_658 = arith.constant 0 : i32
      %eq3A_659 = arith.cmpi eq, %jit3A_657, %eq3A_658 : i32
      %jit3A_660 = arith.constant 1 : i32
      %select_n3A_661 = arith.select %eq3A_659, %jit3A_660, %jit3A_657 : i32
      %rem3A_662 = arith.remsi %squeeze3A_628, %select_n3A_661 : i32
      %ne3A_663 = arith.constant 0 : i32
      %ne3A_664 = arith.cmpi ne, %rem3A_662, %ne3A_663 : i32
      %lt3A_665 = arith.constant 0 : i32
      %lt3A_666 = arith.cmpi slt, %rem3A_662, %lt3A_665 : i32
      %lt3A_667 = arith.constant 0 : i32
      %lt3A_668 = arith.cmpi slt, %select_n3A_661, %lt3A_667 : i32
      %ne3A_669 = arith.xori %lt3A_666, %lt3A_668 : i1
      %and3A_670 = arith.andi %ne3A_669, %ne3A_664 : i1
      %add3A_671 = arith.addi %rem3A_662, %select_n3A_661 : i32
      %select_n3A_672 = arith.select %and3A_670, %add3A_671, %rem3A_662 : i32
      %dma_start3A_673 = arith.constant 0 : i32
      %dma_start3A_674 = tpu.memref_slice %arg6[%add3A_632, %dma_start3A_673] : memref<512x64xf32, #tpu.memory_space<vmem>> -> memref<1x64xf32, #tpu.memory_space<vmem>>
      %dma_start3A_675 = arith.constant 0 : i32
      %dma_start3A_676 = arith.constant 0 : i32
      %dma_start3A_677 = tpu.memref_slice %arg3[%select_n3A_656, %dma_start3A_675, %dma_start3A_676] : memref<125000x8x64xf32, #tpu.memory_space<hbm>> -> memref<1x8x64xf32, #tpu.memory_space<hbm>>
      %dma_start3A_678 = tpu.memref_squeeze %dma_start3A_677 : memref<1x8x64xf32, #tpu.memory_space<hbm>> -> memref<8x64xf32, #tpu.memory_space<hbm>>
      %dma_start3A_679 = arith.constant 0 : i32
      %dma_start3A_680 = tpu.memref_slice %dma_start3A_678[%select_n3A_672, %dma_start3A_679] : memref<8x64xf32, #tpu.memory_space<hbm>> -> memref<1x64xf32, #tpu.memory_space<hbm>>
      %dma_start3A_681 = arith.constant 0 : i32
      %dma_start3A_682 = tpu.memref_slice %arg6[%add3A_632, %dma_start3A_681] : memref<512x64xf32, #tpu.memory_space<vmem>> -> memref<1x64xf32, #tpu.memory_space<vmem>>
      %dma_start3A_683 = arith.constant 0 : i32
      %dma_start3A_684 = arith.constant 0 : i32
      %dma_start3A_685 = tpu.memref_slice %arg3[%select_n3A_656, %dma_start3A_683, %dma_start3A_684] : memref<125000x8x64xf32, #tpu.memory_space<hbm>> -> memref<1x8x64xf32, #tpu.memory_space<hbm>>
      %dma_start3A_686 = tpu.memref_squeeze %dma_start3A_685 : memref<1x8x64xf32, #tpu.memory_space<hbm>> -> memref<8x64xf32, #tpu.memory_space<hbm>>
      %dma_start3A_687 = arith.constant 0 : i32
      %dma_start3A_688 = tpu.memref_slice %dma_start3A_686[%select_n3A_672, %dma_start3A_687] : memref<8x64xf32, #tpu.memory_space<hbm>> -> memref<1x64xf32, #tpu.memory_space<hbm>>
      tpu.enqueue_dma source(%dma_start3A_688 : memref<1x64xf32, #tpu.memory_space<hbm>>) target(%dma_start3A_682 : memref<1x64xf32, #tpu.memory_space<vmem>>) target_semaphore(%arg7 : memref<!tpu.dma_semaphore, #tpu.memory_space<semaphore_mem>>)
      %slice3A_689 = vector.extract_strided_slice %get3A_19 {offsets = [11], sizes = [1], strides = [1]} : vector<16xi32> to vector<1xi32>
      %squeeze3A_690 = vector.extract %slice3A_689[0] : i32 from vector<1xi32>
      %mul3A_691 = arith.constant 16 : i32
      %mul3A_692 = arith.muli %scan3A_14, %mul3A_691 : i32
      %add3A_693 = arith.constant 11 : i32
      %add3A_694 = arith.addi %mul3A_692, %add3A_693 : i32
      %jit3A_695 = arith.constant 8 : i32
      %div3A_696 = arith.divsi %squeeze3A_690, %jit3A_695 : i32
      %sign3A_697 = arith.constant 0 : i32
      %sign3A_698 = arith.cmpi sgt, %squeeze3A_690, %sign3A_697 : i32
      %sign3A_699 = arith.extui %sign3A_698 : i1 to i32
      %sign3A_700 = arith.constant 0 : i32
      %sign3A_701 = arith.cmpi slt, %squeeze3A_690, %sign3A_700 : i32
      %sign3A_702 = arith.extui %sign3A_701 : i1 to i32
      %sign3A_703 = arith.subi %sign3A_699, %sign3A_702 : i32
      %sign3A_704 = arith.constant 0 : i32
      %sign3A_705 = arith.cmpi sgt, %jit3A_695, %sign3A_704 : i32
      %sign3A_706 = arith.extui %sign3A_705 : i1 to i32
      %sign3A_707 = arith.constant 0 : i32
      %sign3A_708 = arith.cmpi slt, %jit3A_695, %sign3A_707 : i32
      %sign3A_709 = arith.extui %sign3A_708 : i1 to i32
      %sign3A_710 = arith.subi %sign3A_706, %sign3A_709 : i32
      %ne3A_711 = arith.cmpi ne, %sign3A_703, %sign3A_710 : i32
      %rem3A_712 = arith.remsi %squeeze3A_690, %jit3A_695 : i32
      %ne3A_713 = arith.constant 0 : i32
      %ne3A_714 = arith.cmpi ne, %rem3A_712, %ne3A_713 : i32
      %and3A_715 = arith.andi %ne3A_711, %ne3A_714 : i1
      %sub3A_716 = arith.constant 1 : i32
      %sub3A_717 = arith.subi %div3A_696, %sub3A_716 : i32
      %select_n3A_718 = arith.select %and3A_715, %sub3A_717, %div3A_696 : i32
      %jit3A_719 = arith.constant 8 : i32
      %eq3A_720 = arith.constant 0 : i32
      %eq3A_721 = arith.cmpi eq, %jit3A_719, %eq3A_720 : i32
      %jit3A_722 = arith.constant 1 : i32
      %select_n3A_723 = arith.select %eq3A_721, %jit3A_722, %jit3A_719 : i32
      %rem3A_724 = arith.remsi %squeeze3A_690, %select_n3A_723 : i32
      %ne3A_725 = arith.constant 0 : i32
      %ne3A_726 = arith.cmpi ne, %rem3A_724, %ne3A_725 : i32
      %lt3A_727 = arith.constant 0 : i32
      %lt3A_728 = arith.cmpi slt, %rem3A_724, %lt3A_727 : i32
      %lt3A_729 = arith.constant 0 : i32
      %lt3A_730 = arith.cmpi slt, %select_n3A_723, %lt3A_729 : i32
      %ne3A_731 = arith.xori %lt3A_728, %lt3A_730 : i1
      %and3A_732 = arith.andi %ne3A_731, %ne3A_726 : i1
      %add3A_733 = arith.addi %rem3A_724, %select_n3A_723 : i32
      %select_n3A_734 = arith.select %and3A_732, %add3A_733, %rem3A_724 : i32
      %dma_start3A_735 = arith.constant 0 : i32
      %dma_start3A_736 = tpu.memref_slice %arg6[%add3A_694, %dma_start3A_735] : memref<512x64xf32, #tpu.memory_space<vmem>> -> memref<1x64xf32, #tpu.memory_space<vmem>>
      %dma_start3A_737 = arith.constant 0 : i32
      %dma_start3A_738 = arith.constant 0 : i32
      %dma_start3A_739 = tpu.memref_slice %arg3[%select_n3A_718, %dma_start3A_737, %dma_start3A_738] : memref<125000x8x64xf32, #tpu.memory_space<hbm>> -> memref<1x8x64xf32, #tpu.memory_space<hbm>>
      %dma_start3A_740 = tpu.memref_squeeze %dma_start3A_739 : memref<1x8x64xf32, #tpu.memory_space<hbm>> -> memref<8x64xf32, #tpu.memory_space<hbm>>
      %dma_start3A_741 = arith.constant 0 : i32
      %dma_start3A_742 = tpu.memref_slice %dma_start3A_740[%select_n3A_734, %dma_start3A_741] : memref<8x64xf32, #tpu.memory_space<hbm>> -> memref<1x64xf32, #tpu.memory_space<hbm>>
      %dma_start3A_743 = arith.constant 0 : i32
      %dma_start3A_744 = tpu.memref_slice %arg6[%add3A_694, %dma_start3A_743] : memref<512x64xf32, #tpu.memory_space<vmem>> -> memref<1x64xf32, #tpu.memory_space<vmem>>
      %dma_start3A_745 = arith.constant 0 : i32
      %dma_start3A_746 = arith.constant 0 : i32
      %dma_start3A_747 = tpu.memref_slice %arg3[%select_n3A_718, %dma_start3A_745, %dma_start3A_746] : memref<125000x8x64xf32, #tpu.memory_space<hbm>> -> memref<1x8x64xf32, #tpu.memory_space<hbm>>
      %dma_start3A_748 = tpu.memref_squeeze %dma_start3A_747 : memref<1x8x64xf32, #tpu.memory_space<hbm>> -> memref<8x64xf32, #tpu.memory_space<hbm>>
      %dma_start3A_749 = arith.constant 0 : i32
      %dma_start3A_750 = tpu.memref_slice %dma_start3A_748[%select_n3A_734, %dma_start3A_749] : memref<8x64xf32, #tpu.memory_space<hbm>> -> memref<1x64xf32, #tpu.memory_space<hbm>>
      tpu.enqueue_dma source(%dma_start3A_750 : memref<1x64xf32, #tpu.memory_space<hbm>>) target(%dma_start3A_744 : memref<1x64xf32, #tpu.memory_space<vmem>>) target_semaphore(%arg7 : memref<!tpu.dma_semaphore, #tpu.memory_space<semaphore_mem>>)
      %slice3A_751 = vector.extract_strided_slice %get3A_19 {offsets = [12], sizes = [1], strides = [1]} : vector<16xi32> to vector<1xi32>
      %squeeze3A_752 = vector.extract %slice3A_751[0] : i32 from vector<1xi32>
      %mul3A_753 = arith.constant 16 : i32
      %mul3A_754 = arith.muli %scan3A_14, %mul3A_753 : i32
      %add3A_755 = arith.constant 12 : i32
      %add3A_756 = arith.addi %mul3A_754, %add3A_755 : i32
      %jit3A_757 = arith.constant 8 : i32
      %div3A_758 = arith.divsi %squeeze3A_752, %jit3A_757 : i32
      %sign3A_759 = arith.constant 0 : i32
      %sign3A_760 = arith.cmpi sgt, %squeeze3A_752, %sign3A_759 : i32
      %sign3A_761 = arith.extui %sign3A_760 : i1 to i32
      %sign3A_762 = arith.constant 0 : i32
      %sign3A_763 = arith.cmpi slt, %squeeze3A_752, %sign3A_762 : i32
      %sign3A_764 = arith.extui %sign3A_763 : i1 to i32
      %sign3A_765 = arith.subi %sign3A_761, %sign3A_764 : i32
      %sign3A_766 = arith.constant 0 : i32
      %sign3A_767 = arith.cmpi sgt, %jit3A_757, %sign3A_766 : i32
      %sign3A_768 = arith.extui %sign3A_767 : i1 to i32
      %sign3A_769 = arith.constant 0 : i32
      %sign3A_770 = arith.cmpi slt, %jit3A_757, %sign3A_769 : i32
      %sign3A_771 = arith.extui %sign3A_770 : i1 to i32
      %sign3A_772 = arith.subi %sign3A_768, %sign3A_771 : i32
      %ne3A_773 = arith.cmpi ne, %sign3A_765, %sign3A_772 : i32
      %rem3A_774 = arith.remsi %squeeze3A_752, %jit3A_757 : i32
      %ne3A_775 = arith.constant 0 : i32
      %ne3A_776 = arith.cmpi ne, %rem3A_774, %ne3A_775 : i32
      %and3A_777 = arith.andi %ne3A_773, %ne3A_776 : i1
      %sub3A_778 = arith.constant 1 : i32
      %sub3A_779 = arith.subi %div3A_758, %sub3A_778 : i32
      %select_n3A_780 = arith.select %and3A_777, %sub3A_779, %div3A_758 : i32
      %jit3A_781 = arith.constant 8 : i32
      %eq3A_782 = arith.constant 0 : i32
      %eq3A_783 = arith.cmpi eq, %jit3A_781, %eq3A_782 : i32
      %jit3A_784 = arith.constant 1 : i32
      %select_n3A_785 = arith.select %eq3A_783, %jit3A_784, %jit3A_781 : i32
      %rem3A_786 = arith.remsi %squeeze3A_752, %select_n3A_785 : i32
      %ne3A_787 = arith.constant 0 : i32
      %ne3A_788 = arith.cmpi ne, %rem3A_786, %ne3A_787 : i32
      %lt3A_789 = arith.constant 0 : i32
      %lt3A_790 = arith.cmpi slt, %rem3A_786, %lt3A_789 : i32
      %lt3A_791 = arith.constant 0 : i32
      %lt3A_792 = arith.cmpi slt, %select_n3A_785, %lt3A_791 : i32
      %ne3A_793 = arith.xori %lt3A_790, %lt3A_792 : i1
      %and3A_794 = arith.andi %ne3A_793, %ne3A_788 : i1
      %add3A_795 = arith.addi %rem3A_786, %select_n3A_785 : i32
      %select_n3A_796 = arith.select %and3A_794, %add3A_795, %rem3A_786 : i32
      %dma_start3A_797 = arith.constant 0 : i32
      %dma_start3A_798 = tpu.memref_slice %arg6[%add3A_756, %dma_start3A_797] : memref<512x64xf32, #tpu.memory_space<vmem>> -> memref<1x64xf32, #tpu.memory_space<vmem>>
      %dma_start3A_799 = arith.constant 0 : i32
      %dma_start3A_800 = arith.constant 0 : i32
      %dma_start3A_801 = tpu.memref_slice %arg3[%select_n3A_780, %dma_start3A_799, %dma_start3A_800] : memref<125000x8x64xf32, #tpu.memory_space<hbm>> -> memref<1x8x64xf32, #tpu.memory_space<hbm>>
      %dma_start3A_802 = tpu.memref_squeeze %dma_start3A_801 : memref<1x8x64xf32, #tpu.memory_space<hbm>> -> memref<8x64xf32, #tpu.memory_space<hbm>>
      %dma_start3A_803 = arith.constant 0 : i32
      %dma_start3A_804 = tpu.memref_slice %dma_start3A_802[%select_n3A_796, %dma_start3A_803] : memref<8x64xf32, #tpu.memory_space<hbm>> -> memref<1x64xf32, #tpu.memory_space<hbm>>
      %dma_start3A_805 = arith.constant 0 : i32
      %dma_start3A_806 = tpu.memref_slice %arg6[%add3A_756, %dma_start3A_805] : memref<512x64xf32, #tpu.memory_space<vmem>> -> memref<1x64xf32, #tpu.memory_space<vmem>>
      %dma_start3A_807 = arith.constant 0 : i32
      %dma_start3A_808 = arith.constant 0 : i32
      %dma_start3A_809 = tpu.memref_slice %arg3[%select_n3A_780, %dma_start3A_807, %dma_start3A_808] : memref<125000x8x64xf32, #tpu.memory_space<hbm>> -> memref<1x8x64xf32, #tpu.memory_space<hbm>>
      %dma_start3A_810 = tpu.memref_squeeze %dma_start3A_809 : memref<1x8x64xf32, #tpu.memory_space<hbm>> -> memref<8x64xf32, #tpu.memory_space<hbm>>
      %dma_start3A_811 = arith.constant 0 : i32
      %dma_start3A_812 = tpu.memref_slice %dma_start3A_810[%select_n3A_796, %dma_start3A_811] : memref<8x64xf32, #tpu.memory_space<hbm>> -> memref<1x64xf32, #tpu.memory_space<hbm>>
      tpu.enqueue_dma source(%dma_start3A_812 : memref<1x64xf32, #tpu.memory_space<hbm>>) target(%dma_start3A_806 : memref<1x64xf32, #tpu.memory_space<vmem>>) target_semaphore(%arg7 : memref<!tpu.dma_semaphore, #tpu.memory_space<semaphore_mem>>)
      %slice3A_813 = vector.extract_strided_slice %get3A_19 {offsets = [13], sizes = [1], strides = [1]} : vector<16xi32> to vector<1xi32>
      %squeeze3A_814 = vector.extract %slice3A_813[0] : i32 from vector<1xi32>
      %mul3A_815 = arith.constant 16 : i32
      %mul3A_816 = arith.muli %scan3A_14, %mul3A_815 : i32
      %add3A_817 = arith.constant 13 : i32
      %add3A_818 = arith.addi %mul3A_816, %add3A_817 : i32
      %jit3A_819 = arith.constant 8 : i32
      %div3A_820 = arith.divsi %squeeze3A_814, %jit3A_819 : i32
      %sign3A_821 = arith.constant 0 : i32
      %sign3A_822 = arith.cmpi sgt, %squeeze3A_814, %sign3A_821 : i32
      %sign3A_823 = arith.extui %sign3A_822 : i1 to i32
      %sign3A_824 = arith.constant 0 : i32
      %sign3A_825 = arith.cmpi slt, %squeeze3A_814, %sign3A_824 : i32
      %sign3A_826 = arith.extui %sign3A_825 : i1 to i32
      %sign3A_827 = arith.subi %sign3A_823, %sign3A_826 : i32
      %sign3A_828 = arith.constant 0 : i32
      %sign3A_829 = arith.cmpi sgt, %jit3A_819, %sign3A_828 : i32
      %sign3A_830 = arith.extui %sign3A_829 : i1 to i32
      %sign3A_831 = arith.constant 0 : i32
      %sign3A_832 = arith.cmpi slt, %jit3A_819, %sign3A_831 : i32
      %sign3A_833 = arith.extui %sign3A_832 : i1 to i32
      %sign3A_834 = arith.subi %sign3A_830, %sign3A_833 : i32
      %ne3A_835 = arith.cmpi ne, %sign3A_827, %sign3A_834 : i32
      %rem3A_836 = arith.remsi %squeeze3A_814, %jit3A_819 : i32
      %ne3A_837 = arith.constant 0 : i32
      %ne3A_838 = arith.cmpi ne, %rem3A_836, %ne3A_837 : i32
      %and3A_839 = arith.andi %ne3A_835, %ne3A_838 : i1
      %sub3A_840 = arith.constant 1 : i32
      %sub3A_841 = arith.subi %div3A_820, %sub3A_840 : i32
      %select_n3A_842 = arith.select %and3A_839, %sub3A_841, %div3A_820 : i32
      %jit3A_843 = arith.constant 8 : i32
      %eq3A_844 = arith.constant 0 : i32
      %eq3A_845 = arith.cmpi eq, %jit3A_843, %eq3A_844 : i32
      %jit3A_846 = arith.constant 1 : i32
      %select_n3A_847 = arith.select %eq3A_845, %jit3A_846, %jit3A_843 : i32
      %rem3A_848 = arith.remsi %squeeze3A_814, %select_n3A_847 : i32
      %ne3A_849 = arith.constant 0 : i32
      %ne3A_850 = arith.cmpi ne, %rem3A_848, %ne3A_849 : i32
      %lt3A_851 = arith.constant 0 : i32
      %lt3A_852 = arith.cmpi slt, %rem3A_848, %lt3A_851 : i32
      %lt3A_853 = arith.constant 0 : i32
      %lt3A_854 = arith.cmpi slt, %select_n3A_847, %lt3A_853 : i32
      %ne3A_855 = arith.xori %lt3A_852, %lt3A_854 : i1
      %and3A_856 = arith.andi %ne3A_855, %ne3A_850 : i1
      %add3A_857 = arith.addi %rem3A_848, %select_n3A_847 : i32
      %select_n3A_858 = arith.select %and3A_856, %add3A_857, %rem3A_848 : i32
      %dma_start3A_859 = arith.constant 0 : i32
      %dma_start3A_860 = tpu.memref_slice %arg6[%add3A_818, %dma_start3A_859] : memref<512x64xf32, #tpu.memory_space<vmem>> -> memref<1x64xf32, #tpu.memory_space<vmem>>
      %dma_start3A_861 = arith.constant 0 : i32
      %dma_start3A_862 = arith.constant 0 : i32
      %dma_start3A_863 = tpu.memref_slice %arg3[%select_n3A_842, %dma_start3A_861, %dma_start3A_862] : memref<125000x8x64xf32, #tpu.memory_space<hbm>> -> memref<1x8x64xf32, #tpu.memory_space<hbm>>
      %dma_start3A_864 = tpu.memref_squeeze %dma_start3A_863 : memref<1x8x64xf32, #tpu.memory_space<hbm>> -> memref<8x64xf32, #tpu.memory_space<hbm>>
      %dma_start3A_865 = arith.constant 0 : i32
      %dma_start3A_866 = tpu.memref_slice %dma_start3A_864[%select_n3A_858, %dma_start3A_865] : memref<8x64xf32, #tpu.memory_space<hbm>> -> memref<1x64xf32, #tpu.memory_space<hbm>>
      %dma_start3A_867 = arith.constant 0 : i32
      %dma_start3A_868 = tpu.memref_slice %arg6[%add3A_818, %dma_start3A_867] : memref<512x64xf32, #tpu.memory_space<vmem>> -> memref<1x64xf32, #tpu.memory_space<vmem>>
      %dma_start3A_869 = arith.constant 0 : i32
      %dma_start3A_870 = arith.constant 0 : i32
      %dma_start3A_871 = tpu.memref_slice %arg3[%select_n3A_842, %dma_start3A_869, %dma_start3A_870] : memref<125000x8x64xf32, #tpu.memory_space<hbm>> -> memref<1x8x64xf32, #tpu.memory_space<hbm>>
      %dma_start3A_872 = tpu.memref_squeeze %dma_start3A_871 : memref<1x8x64xf32, #tpu.memory_space<hbm>> -> memref<8x64xf32, #tpu.memory_space<hbm>>
      %dma_start3A_873 = arith.constant 0 : i32
      %dma_start3A_874 = tpu.memref_slice %dma_start3A_872[%select_n3A_858, %dma_start3A_873] : memref<8x64xf32, #tpu.memory_space<hbm>> -> memref<1x64xf32, #tpu.memory_space<hbm>>
      tpu.enqueue_dma source(%dma_start3A_874 : memref<1x64xf32, #tpu.memory_space<hbm>>) target(%dma_start3A_868 : memref<1x64xf32, #tpu.memory_space<vmem>>) target_semaphore(%arg7 : memref<!tpu.dma_semaphore, #tpu.memory_space<semaphore_mem>>)
      %slice3A_875 = vector.extract_strided_slice %get3A_19 {offsets = [14], sizes = [1], strides = [1]} : vector<16xi32> to vector<1xi32>
      %squeeze3A_876 = vector.extract %slice3A_875[0] : i32 from vector<1xi32>
      %mul3A_877 = arith.constant 16 : i32
      %mul3A_878 = arith.muli %scan3A_14, %mul3A_877 : i32
      %add3A_879 = arith.constant 14 : i32
      %add3A_880 = arith.addi %mul3A_878, %add3A_879 : i32
      %jit3A_881 = arith.constant 8 : i32
      %div3A_882 = arith.divsi %squeeze3A_876, %jit3A_881 : i32
      %sign3A_883 = arith.constant 0 : i32
      %sign3A_884 = arith.cmpi sgt, %squeeze3A_876, %sign3A_883 : i32
      %sign3A_885 = arith.extui %sign3A_884 : i1 to i32
      %sign3A_886 = arith.constant 0 : i32
      %sign3A_887 = arith.cmpi slt, %squeeze3A_876, %sign3A_886 : i32
      %sign3A_888 = arith.extui %sign3A_887 : i1 to i32
      %sign3A_889 = arith.subi %sign3A_885, %sign3A_888 : i32
      %sign3A_890 = arith.constant 0 : i32
      %sign3A_891 = arith.cmpi sgt, %jit3A_881, %sign3A_890 : i32
      %sign3A_892 = arith.extui %sign3A_891 : i1 to i32
      %sign3A_893 = arith.constant 0 : i32
      %sign3A_894 = arith.cmpi slt, %jit3A_881, %sign3A_893 : i32
      %sign3A_895 = arith.extui %sign3A_894 : i1 to i32
      %sign3A_896 = arith.subi %sign3A_892, %sign3A_895 : i32
      %ne3A_897 = arith.cmpi ne, %sign3A_889, %sign3A_896 : i32
      %rem3A_898 = arith.remsi %squeeze3A_876, %jit3A_881 : i32
      %ne3A_899 = arith.constant 0 : i32
      %ne3A_900 = arith.cmpi ne, %rem3A_898, %ne3A_899 : i32
      %and3A_901 = arith.andi %ne3A_897, %ne3A_900 : i1
      %sub3A_902 = arith.constant 1 : i32
      %sub3A_903 = arith.subi %div3A_882, %sub3A_902 : i32
      %select_n3A_904 = arith.select %and3A_901, %sub3A_903, %div3A_882 : i32
      %jit3A_905 = arith.constant 8 : i32
      %eq3A_906 = arith.constant 0 : i32
      %eq3A_907 = arith.cmpi eq, %jit3A_905, %eq3A_906 : i32
      %jit3A_908 = arith.constant 1 : i32
      %select_n3A_909 = arith.select %eq3A_907, %jit3A_908, %jit3A_905 : i32
      %rem3A_910 = arith.remsi %squeeze3A_876, %select_n3A_909 : i32
      %ne3A_911 = arith.constant 0 : i32
      %ne3A_912 = arith.cmpi ne, %rem3A_910, %ne3A_911 : i32
      %lt3A_913 = arith.constant 0 : i32
      %lt3A_914 = arith.cmpi slt, %rem3A_910, %lt3A_913 : i32
      %lt3A_915 = arith.constant 0 : i32
      %lt3A_916 = arith.cmpi slt, %select_n3A_909, %lt3A_915 : i32
      %ne3A_917 = arith.xori %lt3A_914, %lt3A_916 : i1
      %and3A_918 = arith.andi %ne3A_917, %ne3A_912 : i1
      %add3A_919 = arith.addi %rem3A_910, %select_n3A_909 : i32
      %select_n3A_920 = arith.select %and3A_918, %add3A_919, %rem3A_910 : i32
      %dma_start3A_921 = arith.constant 0 : i32
      %dma_start3A_922 = tpu.memref_slice %arg6[%add3A_880, %dma_start3A_921] : memref<512x64xf32, #tpu.memory_space<vmem>> -> memref<1x64xf32, #tpu.memory_space<vmem>>
      %dma_start3A_923 = arith.constant 0 : i32
      %dma_start3A_924 = arith.constant 0 : i32
      %dma_start3A_925 = tpu.memref_slice %arg3[%select_n3A_904, %dma_start3A_923, %dma_start3A_924] : memref<125000x8x64xf32, #tpu.memory_space<hbm>> -> memref<1x8x64xf32, #tpu.memory_space<hbm>>
      %dma_start3A_926 = tpu.memref_squeeze %dma_start3A_925 : memref<1x8x64xf32, #tpu.memory_space<hbm>> -> memref<8x64xf32, #tpu.memory_space<hbm>>
      %dma_start3A_927 = arith.constant 0 : i32
      %dma_start3A_928 = tpu.memref_slice %dma_start3A_926[%select_n3A_920, %dma_start3A_927] : memref<8x64xf32, #tpu.memory_space<hbm>> -> memref<1x64xf32, #tpu.memory_space<hbm>>
      %dma_start3A_929 = arith.constant 0 : i32
      %dma_start3A_930 = tpu.memref_slice %arg6[%add3A_880, %dma_start3A_929] : memref<512x64xf32, #tpu.memory_space<vmem>> -> memref<1x64xf32, #tpu.memory_space<vmem>>
      %dma_start3A_931 = arith.constant 0 : i32
      %dma_start3A_932 = arith.constant 0 : i32
      %dma_start3A_933 = tpu.memref_slice %arg3[%select_n3A_904, %dma_start3A_931, %dma_start3A_932] : memref<125000x8x64xf32, #tpu.memory_space<hbm>> -> memref<1x8x64xf32, #tpu.memory_space<hbm>>
      %dma_start3A_934 = tpu.memref_squeeze %dma_start3A_933 : memref<1x8x64xf32, #tpu.memory_space<hbm>> -> memref<8x64xf32, #tpu.memory_space<hbm>>
      %dma_start3A_935 = arith.constant 0 : i32
      %dma_start3A_936 = tpu.memref_slice %dma_start3A_934[%select_n3A_920, %dma_start3A_935] : memref<8x64xf32, #tpu.memory_space<hbm>> -> memref<1x64xf32, #tpu.memory_space<hbm>>
      tpu.enqueue_dma source(%dma_start3A_936 : memref<1x64xf32, #tpu.memory_space<hbm>>) target(%dma_start3A_930 : memref<1x64xf32, #tpu.memory_space<vmem>>) target_semaphore(%arg7 : memref<!tpu.dma_semaphore, #tpu.memory_space<semaphore_mem>>)
      %slice3A_937 = vector.extract_strided_slice %get3A_19 {offsets = [15], sizes = [1], strides = [1]} : vector<16xi32> to vector<1xi32>
      %squeeze3A_938 = vector.extract %slice3A_937[0] : i32 from vector<1xi32>
      %mul3A_939 = arith.constant 16 : i32
      %mul3A_940 = arith.muli %scan3A_14, %mul3A_939 : i32
      %add3A_941 = arith.constant 15 : i32
      %add3A_942 = arith.addi %mul3A_940, %add3A_941 : i32
      %jit3A_943 = arith.constant 8 : i32
      %div3A_944 = arith.divsi %squeeze3A_938, %jit3A_943 : i32
      %sign3A_945 = arith.constant 0 : i32
      %sign3A_946 = arith.cmpi sgt, %squeeze3A_938, %sign3A_945 : i32
      %sign3A_947 = arith.extui %sign3A_946 : i1 to i32
      %sign3A_948 = arith.constant 0 : i32
      %sign3A_949 = arith.cmpi slt, %squeeze3A_938, %sign3A_948 : i32
      %sign3A_950 = arith.extui %sign3A_949 : i1 to i32
      %sign3A_951 = arith.subi %sign3A_947, %sign3A_950 : i32
      %sign3A_952 = arith.constant 0 : i32
      %sign3A_953 = arith.cmpi sgt, %jit3A_943, %sign3A_952 : i32
      %sign3A_954 = arith.extui %sign3A_953 : i1 to i32
      %sign3A_955 = arith.constant 0 : i32
      %sign3A_956 = arith.cmpi slt, %jit3A_943, %sign3A_955 : i32
      %sign3A_957 = arith.extui %sign3A_956 : i1 to i32
      %sign3A_958 = arith.subi %sign3A_954, %sign3A_957 : i32
      %ne3A_959 = arith.cmpi ne, %sign3A_951, %sign3A_958 : i32
      %rem3A_960 = arith.remsi %squeeze3A_938, %jit3A_943 : i32
      %ne3A_961 = arith.constant 0 : i32
      %ne3A_962 = arith.cmpi ne, %rem3A_960, %ne3A_961 : i32
      %and3A_963 = arith.andi %ne3A_959, %ne3A_962 : i1
      %sub3A_964 = arith.constant 1 : i32
      %sub3A_965 = arith.subi %div3A_944, %sub3A_964 : i32
      %select_n3A_966 = arith.select %and3A_963, %sub3A_965, %div3A_944 : i32
      %jit3A_967 = arith.constant 8 : i32
      %eq3A_968 = arith.constant 0 : i32
      %eq3A_969 = arith.cmpi eq, %jit3A_967, %eq3A_968 : i32
      %jit3A_970 = arith.constant 1 : i32
      %select_n3A_971 = arith.select %eq3A_969, %jit3A_970, %jit3A_967 : i32
      %rem3A_972 = arith.remsi %squeeze3A_938, %select_n3A_971 : i32
      %ne3A_973 = arith.constant 0 : i32
      %ne3A_974 = arith.cmpi ne, %rem3A_972, %ne3A_973 : i32
      %lt3A_975 = arith.constant 0 : i32
      %lt3A_976 = arith.cmpi slt, %rem3A_972, %lt3A_975 : i32
      %lt3A_977 = arith.constant 0 : i32
      %lt3A_978 = arith.cmpi slt, %select_n3A_971, %lt3A_977 : i32
      %ne3A_979 = arith.xori %lt3A_976, %lt3A_978 : i1
      %and3A_980 = arith.andi %ne3A_979, %ne3A_974 : i1
      %add3A_981 = arith.addi %rem3A_972, %select_n3A_971 : i32
      %select_n3A_982 = arith.select %and3A_980, %add3A_981, %rem3A_972 : i32
      %dma_start3A_983 = arith.constant 0 : i32
      %dma_start3A_984 = tpu.memref_slice %arg6[%add3A_942, %dma_start3A_983] : memref<512x64xf32, #tpu.memory_space<vmem>> -> memref<1x64xf32, #tpu.memory_space<vmem>>
      %dma_start3A_985 = arith.constant 0 : i32
      %dma_start3A_986 = arith.constant 0 : i32
      %dma_start3A_987 = tpu.memref_slice %arg3[%select_n3A_966, %dma_start3A_985, %dma_start3A_986] : memref<125000x8x64xf32, #tpu.memory_space<hbm>> -> memref<1x8x64xf32, #tpu.memory_space<hbm>>
      %dma_start3A_988 = tpu.memref_squeeze %dma_start3A_987 : memref<1x8x64xf32, #tpu.memory_space<hbm>> -> memref<8x64xf32, #tpu.memory_space<hbm>>
      %dma_start3A_989 = arith.constant 0 : i32
      %dma_start3A_990 = tpu.memref_slice %dma_start3A_988[%select_n3A_982, %dma_start3A_989] : memref<8x64xf32, #tpu.memory_space<hbm>> -> memref<1x64xf32, #tpu.memory_space<hbm>>
      %dma_start3A_991 = arith.constant 0 : i32
      %dma_start3A_992 = tpu.memref_slice %arg6[%add3A_942, %dma_start3A_991] : memref<512x64xf32, #tpu.memory_space<vmem>> -> memref<1x64xf32, #tpu.memory_space<vmem>>
      %dma_start3A_993 = arith.constant 0 : i32
      %dma_start3A_994 = arith.constant 0 : i32
      %dma_start3A_995 = tpu.memref_slice %arg3[%select_n3A_966, %dma_start3A_993, %dma_start3A_994] : memref<125000x8x64xf32, #tpu.memory_space<hbm>> -> memref<1x8x64xf32, #tpu.memory_space<hbm>>
      %dma_start3A_996 = tpu.memref_squeeze %dma_start3A_995 : memref<1x8x64xf32, #tpu.memory_space<hbm>> -> memref<8x64xf32, #tpu.memory_space<hbm>>
      %dma_start3A_997 = arith.constant 0 : i32
      %dma_start3A_998 = tpu.memref_slice %dma_start3A_996[%select_n3A_982, %dma_start3A_997] : memref<8x64xf32, #tpu.memory_space<hbm>> -> memref<1x64xf32, #tpu.memory_space<hbm>>
      tpu.enqueue_dma source(%dma_start3A_998 : memref<1x64xf32, #tpu.memory_space<hbm>>) target(%dma_start3A_992 : memref<1x64xf32, #tpu.memory_space<vmem>>) target_semaphore(%arg7 : memref<!tpu.dma_semaphore, #tpu.memory_space<semaphore_mem>>)
      %scan3A_999 = arith.constant 0 : i32
      scf.yield %scan3A_999 : i32
    }
    %scan3A_8 = arith.constant 32 : i32
    %dma_wait3A = arith.constant 0 : i32
    %dma_wait3A_9 = arith.constant 0 : i32
    %dma_wait3A_10 = tpu.memref_slice %arg4[%dma_wait3A, %dma_wait3A_9] : memref<16384x64xf32, #tpu.memory_space<hbm>> -> memref<512x64xf32, #tpu.memory_space<hbm>>
    %dma_wait3A_11 = arith.constant 0 : i32
    %dma_wait3A_12 = arith.constant 0 : i32
    %dma_wait3A_13 = tpu.memref_slice %arg4[%dma_wait3A_11, %dma_wait3A_12] : memref<16384x64xf32, #tpu.memory_space<hbm>> -> memref<512x64xf32, #tpu.memory_space<hbm>>
    tpu.wait_dma2 semaphore(%arg7 : memref<!tpu.dma_semaphore, #tpu.memory_space<semaphore_mem>>) src(%dma_wait3A_13 : memref<512x64xf32, #tpu.memory_space<hbm>>) dst(%arg6 : memref<512x64xf32, #tpu.memory_space<vmem>>)
    "tpu.region"() ({
      %run_scoped3A = tpu.sem_alloc : memref<!tpu.dma_semaphore, #tpu.memory_space<semaphore_mem>>
      %dma_start3A = arith.constant 0 : i32
      %dma_start3A_14 = tpu.memref_slice %arg4[%mul3A_2, %dma_start3A] : memref<16384x64xf32, #tpu.memory_space<hbm>> -> memref<512x64xf32, #tpu.memory_space<hbm>>
      %dma_start3A_15 = arith.constant 0 : i32
      %dma_start3A_16 = tpu.memref_slice %arg4[%mul3A_2, %dma_start3A_15] : memref<16384x64xf32, #tpu.memory_space<hbm>> -> memref<512x64xf32, #tpu.memory_space<hbm>>
      tpu.enqueue_dma source(%arg6 : memref<512x64xf32, #tpu.memory_space<vmem>>) target(%dma_start3A_16 : memref<512x64xf32, #tpu.memory_space<hbm>>) target_semaphore(%run_scoped3A : memref<!tpu.dma_semaphore, #tpu.memory_space<semaphore_mem>>)
      %dma_wait3A_17 = arith.constant 0 : i32
      %dma_wait3A_18 = tpu.memref_slice %arg4[%mul3A_2, %dma_wait3A_17] : memref<16384x64xf32, #tpu.memory_space<hbm>> -> memref<512x64xf32, #tpu.memory_space<hbm>>
      %dma_wait3A_19 = arith.constant 0 : i32
      %dma_wait3A_20 = tpu.memref_slice %arg4[%mul3A_2, %dma_wait3A_19] : memref<16384x64xf32, #tpu.memory_space<hbm>> -> memref<512x64xf32, #tpu.memory_space<hbm>>
      tpu.wait_dma2 semaphore(%run_scoped3A : memref<!tpu.dma_semaphore, #tpu.memory_space<semaphore_mem>>) src(%arg6 : memref<512x64xf32, #tpu.memory_space<vmem>>) dst(%dma_wait3A_20 : memref<512x64xf32, #tpu.memory_space<hbm>>)
      tpu.yield
    }) : () -> ()
    return
  }
}

</mosaic_0001>

<sc_bundles>
// kernel: kernel.3.cloned.1.call-start
scs
__scs_entry_jumppad:
0x0: {  	(pc) =	sbr.rel $0x88, $3  }
0x1: {  	(tag) =	ssettag $0x0;
	lr =	simm.s32 $0x1  }
0x2: {  	[smem:$0x3F9F] =	sst lr;
	_ =	strace $0xD0000000  }
0x3: {  	_ = 	snop  }
0x4: {  	_ = 	snop  }
0x5: {  	_ = 	snop  }
0x6: {  	_ = 	snop  }
0x7: {  	_ = 	snop  }
__scs_overlays_trampoline_lowered:
0x8: {  	[smem:$0x3FAE] =	sst s0  }
0x9: {  	[smem:$0x3FAF] =	sst s1  }
0xa: {  	[smem:$0x3FB0] =	sst s2  }
0xb: {  	[smem:$0x3FB1] =	sst s3  }
0xc: {  	[smem:$0x3FB2] =	sst s4  }
0xd: {  	[smem:$0x3FB3] =	sst s5  }
0xe: {  	[smem:$0x3FB4] =	sst s6  }
0xf: {  	[smem:$0x3FB5] =	sst s7  }
0x10: {  	[smem:$0x3FB6] =	sst s8  }
0x11: {  	[smem:$0x3FB7] =	sst s9;
	s0 =	simm.s32 @!p0 $0x0  }
0x12: {  	s1 =	sld [smem:$0x3F9D];
	s0 =	simm.s32 @p0 $0x1  }
0x13: {  	[smem:$0x3FB8] =	sst s0;
	s0 =	simm.s32 @!p1 $0x0  }
0x14: {  	s2 =	sld [smem:$0x3F9C];
	s0 =	simm.s32 @p1 $0x1  }
0x15: {  	[smem:$0x3FB9] =	sst s0;
	s0 =	simm.s32 @!p2 $0x0  }
0x16: {  	s3 =	sld [smem:$0x3FDB];
	s0 =	simm.s32 @p2 $0x1  }
0x17: {  	s4 =	simm.s32 $0x1BF5;
	[smem:$0x3FBB] =	sst s0  }
0x18: {  	s0 =	sld [smem:$0x3F9E];
	_ =	swait.ge [sflag:s4], $0x0  }
0x19: {  	s7 =	sld [smem:$0x3F9F]  }
0x1a: {  	s8 =	sadd.s32 $0xFFFFE003, lr  }
0x1b: {  	s9 =	sadd.s32 $0xFFFFFEF7, lr;
	s5 =	simm.s32 $0xFFFFFFFF;
	p2 =	slt.u32 s8, $0xFFFFF086  }
0x1c: {  	p1 =	slt.u32 s9, $0xF7A;
	s5 =	simm.s32 @!p2 $0x0  }
0x1d: {  	s5 =	simm.s32 @p1 $0x1;
	p0 =	seq.s32 s7, s2  }
0x1e: {  	s7 =	smul.u32 @!p0 $0xF7A, s2;
	p2 =	seq.s32 @!p0 s5, $0x0  }
0x1f: {  	s9 =	smul.u32 $0xF7A, s1;
	s8 =	simm.s32 @!p0 $0x1BF5;
	p2 =	por !p2, p0  }
0x20: {  	[sflag:s8] =	ssyncset.s32 @!p0 $0xFFFFF086;
	s6 =	sadd.s32 @!p0 s3, s7;
	s7 =	simm.s32 @!p0 $0x108  }
0x21: {  	s3 =	sadd.s32 s3, s9;
	s6 =	sadd.s32 @!p0 $0x88, s6;
	s7 =	simm.s32 @p2 $0x1082  }
0x22: {  	[simem:s7], [sflag:s8] =	dma.local @!p0 [hbm:s6], $0xF7A  }
0x23: {  	s9 =	sor.u32 $0xD0000000, s2;
	s6 =	simm.s32 $0x108;
	_ =	swait.ge @!p0 [sflag:s8], $0x0  }
0x24: {  	s3 =	sadd.s32 $0x88, s3;
	s6 =	simm.s32 @!p1 $0x1082;
	[sflag:s4] =	ssyncset.s32 $0xFFFFF086  }
0x25: {  	[simem:s6], [sflag:s4] =	dma.local [hbm:s3], $0xF7A  }
0x26: {  	[smem:$0x3F9F] =	sst s1;
	(tag) =	ssettag s2;
	_ =	strace s9  }
0x27: {  	s1 =	sld [smem:$0x3FAF]  }
0x28: {  	s2 =	sld [smem:$0x3FB0]  }
0x29: {  	s4 =	sld [smem:$0x3FB2]  }
0x2a: {  	p0 =	seq.s32 s5, $0x0;
	s5 =	sld [smem:$0x3FB3]  }
0x2b: {  	s6 =	sld [smem:$0x3FB4]  }
0x2c: {  	s7 =	sld [smem:$0x3FB5]  }
0x2d: {  	s3 =	simm.s32 $0x108;
	s8 =	sld [smem:$0x3FB6]  }
0x2e: {  	s3 =	simm.s32 @!p0 $0x1082;
	s9 =	sld [smem:$0x3FB7]  }
0x2f: {  	lr =	sadd.s32 s0, s3;
	s0 =	sld [smem:$0x3FAE]  }
0x30: {  	s3 =	sld [smem:$0x3FB1]  }
0x31: {  	[smem:$0x3FBA] =	sst s10  }
0x32: {  	s10 =	sld [smem:$0x3FB8];
	_ =	sdelay $0x3  }
0x33: {  	p0 =	seq.s32 s10, $0x1;
	s10 =	sld [smem:$0x3FBA];
	_ =	sdelay $0x3  }
0x34: {  	[smem:$0x3FBA] =	sst s10  }
0x35: {  	s10 =	sld [smem:$0x3FB9];
	_ =	sdelay $0x3  }
0x36: {  	p1 =	seq.s32 s10, $0x1;
	s10 =	sld [smem:$0x3FBA];
	_ =	sdelay $0x3  }
0x37: {  	[smem:$0x3FBA] =	sst s10  }
0x38: {  	s10 =	sld [smem:$0x3FBB]  }
0x39: {  	_ = 	snop;
	(pc) =	sbr.ind lr, $3  }
0x3a: {  	_ = 	snop  }
0x3b: {  	_ = 	snop  }
0x3c: {  	p2 =	seq.s32 s10, $0x1;
	s10 =	sld [smem:$0x3FBA]  }
0x3d: {  	_ =	shalt  }
0x3e: {  	_ =	shalt  }
0x3f: {  	_ =	shalt  }
0x40: {  	_ =	shalt  }
0x41: {  	_ =	shalt  }
0x42: {  	_ =	shalt  }
0x43: {  	_ =	shalt  }
0x44: {  	_ =	shalt  }
0x45: {  	_ =	shalt  }
0x46: {  	_ =	shalt  }
0x47: {  	_ =	shalt  }
0x48: {  	_ =	shalt  }
0x49: {  	_ =	shalt  }
0x4a: {  	_ =	shalt  }
0x4b: {  	_ =	shalt  }
0x4c: {  	_ =	shalt  }
0x4d: {  	_ =	shalt  }
0x4e: {  	_ =	shalt  }
0x4f: {  	_ =	shalt  }
0x50: {  	_ =	shalt  }
0x51: {  	_ =	shalt  }
0x52: {  	_ =	shalt  }
0x53: {  	_ =	shalt  }
0x54: {  	_ =	shalt  }
0x55: {  	_ =	shalt  }
0x56: {  	_ =	shalt  }
0x57: {  	_ =	shalt  }
0x58: {  	_ =	shalt  }
0x59: {  	_ =	shalt  }
0x5a: {  	_ =	shalt  }
0x5b: {  	_ =	shalt  }
0x5c: {  	_ =	shalt  }
0x5d: {  	_ =	shalt  }
0x5e: {  	_ =	shalt  }
0x5f: {  	_ =	shalt  }
0x60: {  	_ =	shalt  }
0x61: {  	_ =	shalt  }
0x62: {  	_ =	shalt  }
0x63: {  	_ =	shalt  }
0x64: {  	_ =	shalt  }
0x65: {  	_ =	shalt  }
0x66: {  	_ =	shalt  }
0x67: {  	_ =	shalt  }
0x68: {  	_ =	shalt  }
0x69: {  	_ =	shalt  }
0x6a: {  	_ =	shalt  }
0x6b: {  	_ =	shalt  }
0x6c: {  	_ =	shalt  }
0x6d: {  	_ =	shalt  }
0x6e: {  	_ =	shalt  }
0x6f: {  	_ =	shalt  }
0x70: {  	_ =	shalt  }
0x71: {  	_ =	shalt  }
0x72: {  	_ =	shalt  }
0x73: {  	_ =	shalt  }
0x74: {  	_ =	shalt  }
0x75: {  	_ =	shalt  }
0x76: {  	_ =	shalt  }
0x77: {  	_ =	shalt  }
0x78: {  	_ =	shalt  }
0x79: {  	_ =	shalt  }
0x7a: {  	_ =	shalt  }
0x7b: {  	_ =	shalt  }
0x7c: {  	_ =	shalt  }
0x7d: {  	_ =	shalt  }
0x7e: {  	_ =	shalt  }
0x7f: {  	_ =	shalt  }
0x80: {  	_ =	shalt  }
0x81: {  	_ =	shalt  }
0x82: {  	_ =	shalt  }
0x83: {  	_ =	shalt  }
0x84: {  	_ =	shalt  }
0x85: {  	_ =	shalt  }
0x86: {  	_ =	shalt  }
0x87: {  	_ =	shalt  }
.Lfunc_end0:
.L_simem_size_0:
called_computation_lowered:
.L_overlay_start_0:
0x88: {  	s2 =	sld [smem:$0x3FD9]  }
0x89: {  	s3 =	sld [smem:$0x3FFE];
	_ =	sdelay $0x1  }
0x8a: {  	s1 =	srdreg.scid  }
0x8b: {  	s0 =	sand.u32 $0x1, s1  }
0x8c: {  	s17 =	sshll.u32 s0, $0xA;
	s2 =	sadd.s32 s3, s2  }
0x8d: {  	s2 =	sadd.s32 s2, s17  }
0x8e: {  	[smem:$0x3FC6] =	sst s2  }
0x8f: {  	_ = 	snop  }
0x90: {  	s2 =	sld [smem:$0x3FC9];
	(tm) =	ssettm $0x1  }
0x91: {  	s18 =	sld [smem:$0x3FFB];
	_ =	sdelay $0x3  }
0x92: {  	_ =	strace s18  }
0x93: {  	s3 =	sld [smem:$0x3FFC];
	_ =	sdelay $0x3  }
0x94: {  	_ =	strace s3  }
0x95: {  	s3 =	sld [smem:$0x3FFD];
	_ =	sdelay $0x3  }
0x96: {  	_ =	strace s3  }
0x97: {  	_ =	strace $0x8FFFFFFF  }
0x98: {  	s19 =	sld [smem:$0x3FDB];
	_ =	sdelay $0x1  }
0x99: {  	s4 =	simm.s32 $_scs_section_size  }
0x9a: {  	s5 =	simm.s32 $_size__tile_overlayer_lowered;
	s6 =	simm.s32 $_tile_overlayer_lowered  }
0x9b: {  	s22 =	simm.s32 $0x1BFF;
	s21 =	sshll.u32 s6, $0x1;
	s3 =	sadd.s32 s4, s19  }
0x9c: {  	s7 =	simm.s32 $0x0;
	s20 =	sshll.u32 s5, $0x1;
	s5 =	sadd.s32 s21, s3  }
0x9d: {  	[timem:s7], [sflag:s22] =	dma.local [hbm:s5], s20  }
0x9e: {  	_ =	swait.ge [sflag:s22], s20  }
0x9f: {  	s4 =	ssub.s32 $0x0, s20;
	[sflag:s22] =	ssyncset.done $0x0  }
0xa0: {  	[sflag:s22] =	ssyncadd.s32 s4;
	_ =	sdelay $0x1  }
0xa1: {  	s23 =	simm.s32 $0x1B8B  }
0xa2: {  	_ =	swait.ge [sflag:s23], $0x1  }
0xa3: {  	[sflag:s23] =	ssyncset.done $0x0  }
0xa4: {  	s25 =	simm.s32 $0x1B8E;
	s24 =	sld [smem:$0x3FFE];
	[sflag:s23] =	ssyncadd.s32 $0xFFFFFFFF  }
0xa5: {  	s26 =	simm.s32 $execute0_lowered;
	[smem:$0x3FD2] =	sst s25  }
0xa6: {  	s5 =	sshll.u32 s26, $0x1;
	_ =	strace $0x80000046;
	[dreg:$0x1] =	wrdreg $0xFFFFFFFF  }
0xa7: {  	s28 =	simm.s32 $_size_execute0_lowered;
	s3 =	sadd.s32 s3, s5;
	[dreg:$0x0] =	wrdreg $0x0  }
0xa8: {  	s5 =	sshll.u32 s28, $0x1;
	[dreg:$0x2] =	wrdreg s3  }
0xa9: {  	[dreg:$0x3] =	wrdreg s5  }
0xaa: {  	[dreg:$0x4] =	wrdreg $0xC0  }
0xab: {  	_ =	task [dreg:s7], $0x5FFFF  }
0xac: {  	[dreg:$0x1] =	wrdreg $0xFFFFFFFF  }
0xad: {  	[dreg:$0x0] =	wrdreg $0x60  }
0xae: {  	[dreg:$0x2] =	wrdreg s2  }
0xaf: {  	[dreg:$0x3] =	wrdreg s24  }
0xb0: {  	[dreg:$0x4] =	wrdreg $0x9  }
0xb1: {  	_ =	task.clear_ibuf [dreg:s7], $0x5FFFF;
	_ =	strace $0x90000046  }
0xb2: {  	s29 =	simm.s32 $0x9;
	_ =	strace $0x80000048  }
0xb3: {  	_ =	swait.ge [sflag:s29], $0x1  }
0xb4: {  	[sflag:s29] =	ssyncadd.s32 $0xFFFFFFFF  }
0xb5: {  	_ =	strace $0x90000048  }
0xb6: {  	_ =	sfence  }
0xb7: {  	s30 =	sld [smem:$0x0];
	_ =	sdelay $0x2  }
0xb8: {  	s31 =	sshll.u32 s1, $0xD;
	s1 =	sshrl.u32 s1, $0x2  }
0xb9: {  	s3 =	sand.u32 $0x4000, s31;
	s1 =	sadd.s32 s1, s30  }
0xba: {  	s0 =	sor.u32 s3, s0;
	s1 =	sshll.u32 s1, $0x11  }
0xbb: {  	s0 =	sor.u32 s1, s0  }
0xbc: {  	s0 =	sadd.s32 $0x8F2B, s0  }
0xbd: {  	[sflag:s0] =	ssyncadd.remote.s32 $0x1  }
0xbe: {  	_ =	sfence.sel $0xFFFF  }
0xbf: {  	[dreg:$0x0] =	wrdreg $0xFFFFFFFF;
	(pc) =	sbr.abs _section_cstart, $3  }
0xc0: {  	[dreg:$0x1] =	wrdreg $0xFFFFFFFF  }
0xc1: {  	_ =	task.clear_ibuf [dreg:s7], $0x2FFFF;
	_ =	strace $0x9FFFFFFF  }
0xc2: {  	(tm) =	ssettm $0x7FFFFFFF  }
0xc3: {  	_ =	shalt  }
tec
execute0_lowered:
.L_overlay_start_1:
0x0: {  	(tag) =	ssettag $0x1  }
0x1: {  	s4 =	rddreg [dreg:$0x0]  }
0x2: {  	s5 =	rddreg [dreg:$0x1]  }
0x3: {  	s0 =	rddreg [dreg:$0x2];
	s2 =	simm.s32 $0x0;
	s3 =	srdreg.scid  }
0x4: {  	s1 =	stileid.u32;
	s10 =	simm.s32 $0x0;
	s6 =	sand.u32 $0x1, s3  }
0x5: {  	[smem:$0x7FF] =	sst s2;
	s7 =	sshll.u32 s1, $0xA;
	s8 =	sshll.u32 s6, $0x9  }
0x6: {  	s3 =	sadd.s32 $0x400, s5;
	s6 =	ssub.s32 $0x2, s6;
	s7 =	sor.u32 s8, s7  }
0x7: {  	_ =	strace $0x80000047;
	s9 =	sshrl.u32 s6, $0x1;
	s8 =	sshll.u32 s7, $0x4  }
0x8: {  	s7 =	sshrl.u32 s7, $0x3;
	s6 =	ssub.s32 s6, s9;
	s9 =	simm.s32 $0x200  }
0x9: {  	s5 =	sadd.s32 s8, s5;
	s4 =	sadd.s32 s4, s7;
	s6 =	smax.u32 s6, $0x1  }
0xa: {  	s7 =	simm.s32 $0x2;
	s8 =	simm.s32 $0x1;
	s5 =	sadd.s32 $0xF42800, s5  }
.LBB2_1:
0xb: {  	[tilespmem:s2], [sflag:$0x2] =	stream.linear.gather [hbm4b:s4+s2], $0x200, $0x38;
	[tilespmem:$0x10200] =	vst v63  }
0xc: {  	_ =	swait.ge [sflag:s7], $0x200  }
0xd: {  	[sflag:s7] =	ssyncset.done $0x0  }
0xe: {  	s11 =	simm.s32 $0x0;
	s12 =	simm.s32 $0x0;
	[sflag:s7] =	ssyncadd.s32 $0xFFFFFE00  }
.LBB2_2:
0xf: {  	v0 =	vld [tilespmem:s11+$0x0];
	_ =	sdelay $0x4  }
0x10: {  	(v2sf) =	vpush v0, $0x0;
	_ =	sdelay $0xe  }
0x11: {  	s13 =	spop (v2sf);
	(v2sf) =	vpush v0, $0x1  }
0x12: {  	s14 =	sshra.s32 s13, $0x1F  }
0x13: {  	s14 =	sshrl.u32 s14, $0x1D  }
0x14: {  	s14 =	sadd.s32 s14, s13  }
0x15: {  	s15 =	sand.u32 $0xFFFFFFF8, s14  }
0x16: {  	p0 =	slt.s32 s13, $0x1;
	p1 =	sne.s32 s13, s15  }
0x17: {  	p0 =	por !p0, !p1  }
0x18: {  	s15 =	simm.s32 $0x1;
	p0 =	por !p0, !p0  }
0x19: {  	s14 =	sshrl.u32 s14, $0x3;
	s15 =	simm.s32 @!p0 $0x0  }
0x1a: {  	s14 =	ssub.s32 s14, s15  }
0x1b: {  	s13 =	sshll.u32 s13, $0x4;
	s14 =	sshll.u32 s14, $0x7  }
0x1c: {  	s28 =	sadd.s32 $0x80, s13;
	s14 =	sand.u32 $0x1FFFFF80, s14  }
0x1d: {  	s13 =	sshra.s32 s12, $0x2;
	s15 =	sand.u32 $0x70, s28;
	s14 =	sadd.s32 s3, s14  }
0x1e: {  	s16 =	sadd.s32 $0x200, s13;
	s14 =	sadd.s32 s14, s15  }
0x1f: {  	[tilespmem:s16], [sflag:$0x1] =	stream.linear.gather [hbm4b:s14+s2], $0x80, $0x38;
	[tilespmem:$0x10200] =	vst v63  }
0x20: {  	s29 =	spop (v2sf);
	(v2sf) =	vpush v0, $0x2  }
0x21: {  	s30 =	sshra.s32 s29, $0x1F  }
0x22: {  	s15 =	sshrl.u32 s30, $0x1D  }
0x23: {  	s15 =	sadd.s32 s15, s29  }
0x24: {  	s31 =	sand.u32 $0xFFFFFFF8, s15  }
0x25: {  	p1 =	slt.s32 s29, $0x1;
	p2 =	sne.s32 s29, s31  }
0x26: {  	p0 =	por !p1, !p2  }
0x27: {  	s16 =	simm.s32 $0x1;
	p0 =	por !p0, !p0  }
0x28: {  	s15 =	sshrl.u32 s15, $0x3;
	s16 =	simm.s32 @!p0 $0x0  }
0x29: {  	s15 =	ssub.s32 s15, s16  }
0x2a: {  	s14 =	sshll.u32 s29, $0x4;
	s15 =	sshll.u32 s15, $0x7  }
0x2b: {  	s14 =	sadd.s32 $0x80, s14;
	s15 =	sand.u32 $0x1FFFFF80, s15  }
0x2c: {  	s14 =	sand.u32 $0x70, s14;
	s15 =	sadd.s32 s3, s15  }
0x2d: {  	s17 =	sadd.s32 $0x280, s13;
	s14 =	sadd.s32 s14, s15  }
0x2e: {  	[tilespmem:s17], [sflag:$0x1] =	stream.linear.gather [hbm4b:s14+s2], $0x80, $0x38;
	[tilespmem:$0x10200] =	vst v63  }
0x2f: {  	s18 =	spop (v2sf);
	(v2sf) =	vpush v0, $0x3  }
0x30: {  	s19 =	sshra.s32 s18, $0x1F  }
0x31: {  	s15 =	sshrl.u32 s19, $0x1D  }
0x32: {  	s15 =	sadd.s32 s15, s18  }
0x33: {  	s20 =	sand.u32 $0xFFFFFFF8, s15  }
0x34: {  	p3 =	slt.s32 s18, $0x1;
	p4 =	sne.s32 s18, s20  }
0x35: {  	p0 =	por !p3, !p4  }
0x36: {  	s16 =	simm.s32 $0x1;
	p0 =	por !p0, !p0  }
0x37: {  	s15 =	sshrl.u32 s15, $0x3;
	s16 =	simm.s32 @!p0 $0x0  }
0x38: {  	s15 =	ssub.s32 s15, s16  }
0x39: {  	s14 =	sshll.u32 s18, $0x4;
	s15 =	sshll.u32 s15, $0x7  }
0x3a: {  	s14 =	sadd.s32 $0x80, s14;
	s15 =	sand.u32 $0x1FFFFF80, s15  }
0x3b: {  	s14 =	sand.u32 $0x70, s14;
	s15 =	sadd.s32 s3, s15  }
0x3c: {  	s21 =	sadd.s32 $0x300, s13;
	s14 =	sadd.s32 s14, s15  }
0x3d: {  	[tilespmem:s21], [sflag:$0x1] =	stream.linear.gather [hbm4b:s14+s2], $0x80, $0x38;
	[tilespmem:$0x10200] =	vst v63  }
0x3e: {  	s22 =	spop (v2sf);
	(v2sf) =	vpush v0, $0x4  }
0x3f: {  	s23 =	sshra.s32 s22, $0x1F  }
0x40: {  	s15 =	sshrl.u32 s23, $0x1D  }
0x41: {  	s15 =	sadd.s32 s15, s22  }
0x42: {  	s24 =	sand.u32 $0xFFFFFFF8, s15  }
0x43: {  	p5 =	slt.s32 s22, $0x1;
	p6 =	sne.s32 s22, s24  }
0x44: {  	p0 =	por !p5, !p6  }
0x45: {  	s16 =	simm.s32 $0x1;
	p0 =	por !p0, !p0  }
0x46: {  	s15 =	sshrl.u32 s15, $0x3;
	s16 =	simm.s32 @!p0 $0x0  }
0x47: {  	s15 =	ssub.s32 s15, s16  }
0x48: {  	s14 =	sshll.u32 s22, $0x4;
	s15 =	sshll.u32 s15, $0x7  }
0x49: {  	s14 =	sadd.s32 $0x80, s14;
	s15 =	sand.u32 $0x1FFFFF80, s15  }
0x4a: {  	s14 =	sand.u32 $0x70, s14;
	s15 =	sadd.s32 s3, s15  }
0x4b: {  	s25 =	sadd.s32 $0x380, s13;
	s14 =	sadd.s32 s14, s15  }
0x4c: {  	[tilespmem:s25], [sflag:$0x1] =	stream.linear.gather [hbm4b:s14+s2], $0x80, $0x38;
	[tilespmem:$0x10200] =	vst v63  }
0x4d: {  	s26 =	spop (v2sf);
	(v2sf) =	vpush v0, $0x5  }
0x4e: {  	s28 =	sshra.s32 s26, $0x1F  }
0x4f: {  	s15 =	sshrl.u32 s28, $0x1D  }
0x50: {  	s15 =	sadd.s32 s15, s26  }
0x51: {  	s29 =	sand.u32 $0xFFFFFFF8, s15  }
0x52: {  	p1 =	slt.s32 s26, $0x1;
	p2 =	sne.s32 s26, s29  }
0x53: {  	p0 =	por !p1, !p2  }
0x54: {  	s16 =	simm.s32 $0x1;
	p0 =	por !p0, !p0  }
0x55: {  	s15 =	sshrl.u32 s15, $0x3;
	s16 =	simm.s32 @!p0 $0x0  }
0x56: {  	s15 =	ssub.s32 s15, s16  }
0x57: {  	s14 =	sshll.u32 s26, $0x4;
	s15 =	sshll.u32 s15, $0x7  }
0x58: {  	s14 =	sadd.s32 $0x80, s14;
	s15 =	sand.u32 $0x1FFFFF80, s15  }
0x59: {  	s14 =	sand.u32 $0x70, s14;
	s15 =	sadd.s32 s3, s15  }
0x5a: {  	s30 =	sadd.s32 $0x400, s13;
	s14 =	sadd.s32 s14, s15  }
0x5b: {  	[tilespmem:s30], [sflag:$0x1] =	stream.linear.gather [hbm4b:s14+s2], $0x80, $0x38;
	[tilespmem:$0x10200] =	vst v63  }
0x5c: {  	s31 =	spop (v2sf);
	(v2sf) =	vpush v0, $0x6  }
0x5d: {  	s17 =	sshra.s32 s31, $0x1F  }
0x5e: {  	s15 =	sshrl.u32 s17, $0x1D  }
0x5f: {  	s15 =	sadd.s32 s15, s31  }
0x60: {  	s18 =	sand.u32 $0xFFFFFFF8, s15  }
0x61: {  	p3 =	slt.s32 s31, $0x1;
	p4 =	sne.s32 s31, s18  }
0x62: {  	p0 =	por !p3, !p4  }
0x63: {  	s16 =	simm.s32 $0x1;
	p0 =	por !p0, !p0  }
0x64: {  	s15 =	sshrl.u32 s15, $0x3;
	s16 =	simm.s32 @!p0 $0x0  }
0x65: {  	s15 =	ssub.s32 s15, s16  }
0x66: {  	s14 =	sshll.u32 s31, $0x4;
	s15 =	sshll.u32 s15, $0x7  }
0x67: {  	s14 =	sadd.s32 $0x80, s14;
	s15 =	sand.u32 $0x1FFFFF80, s15  }
0x68: {  	s14 =	sand.u32 $0x70, s14;
	s15 =	sadd.s32 s3, s15  }
0x69: {  	s19 =	sadd.s32 $0x480, s13;
	s14 =	sadd.s32 s14, s15  }
0x6a: {  	[tilespmem:s19], [sflag:$0x1] =	stream.linear.gather [hbm4b:s14+s2], $0x80, $0x38;
	[tilespmem:$0x10200] =	vst v63  }
0x6b: {  	s20 =	spop (v2sf);
	(v2sf) =	vpush v0, $0x7  }
0x6c: {  	s21 =	sshra.s32 s20, $0x1F  }
0x6d: {  	s15 =	sshrl.u32 s21, $0x1D  }
0x6e: {  	s15 =	sadd.s32 s15, s20  }
0x6f: {  	s22 =	sand.u32 $0xFFFFFFF8, s15  }
0x70: {  	p5 =	slt.s32 s20, $0x1;
	p6 =	sne.s32 s20, s22  }
0x71: {  	p0 =	por !p5, !p6  }
0x72: {  	s16 =	simm.s32 $0x1;
	p0 =	por !p0, !p0  }
0x73: {  	s15 =	sshrl.u32 s15, $0x3;
	s16 =	simm.s32 @!p0 $0x0  }
0x74: {  	s15 =	ssub.s32 s15, s16  }
0x75: {  	s14 =	sshll.u32 s20, $0x4;
	s15 =	sshll.u32 s15, $0x7  }
0x76: {  	s14 =	sadd.s32 $0x80, s14;
	s15 =	sand.u32 $0x1FFFFF80, s15  }
0x77: {  	s14 =	sand.u32 $0x70, s14;
	s15 =	sadd.s32 s3, s15  }
0x78: {  	s23 =	sadd.s32 $0x500, s13;
	s14 =	sadd.s32 s14, s15  }
0x79: {  	[tilespmem:s23], [sflag:$0x1] =	stream.linear.gather [hbm4b:s14+s2], $0x80, $0x38;
	[tilespmem:$0x10200] =	vst v63  }
0x7a: {  	s24 =	spop (v2sf);
	(v2sf) =	vpush v0, $0x8  }
0x7b: {  	s25 =	sshra.s32 s24, $0x1F  }
0x7c: {  	s15 =	sshrl.u32 s25, $0x1D  }
0x7d: {  	s15 =	sadd.s32 s15, s24  }
0x7e: {  	s26 =	sand.u32 $0xFFFFFFF8, s15  }
0x7f: {  	p1 =	slt.s32 s24, $0x1;
	p2 =	sne.s32 s24, s26  }
0x80: {  	p0 =	por !p1, !p2  }
0x81: {  	s16 =	simm.s32 $0x1;
	p0 =	por !p0, !p0  }
0x82: {  	s15 =	sshrl.u32 s15, $0x3;
	s16 =	simm.s32 @!p0 $0x0  }
0x83: {  	s15 =	ssub.s32 s15, s16  }
0x84: {  	s14 =	sshll.u32 s24, $0x4;
	s15 =	sshll.u32 s15, $0x7  }
0x85: {  	s14 =	sadd.s32 $0x80, s14;
	s15 =	sand.u32 $0x1FFFFF80, s15  }
0x86: {  	s14 =	sand.u32 $0x70, s14;
	s15 =	sadd.s32 s3, s15  }
0x87: {  	s28 =	sadd.s32 $0x580, s13;
	s14 =	sadd.s32 s14, s15  }
0x88: {  	[tilespmem:s28], [sflag:$0x1] =	stream.linear.gather [hbm4b:s14+s2], $0x80, $0x38;
	[tilespmem:$0x10200] =	vst v63  }
0x89: {  	s29 =	spop (v2sf);
	(v2sf) =	vpush v0, $0x9  }
0x8a: {  	s30 =	sshra.s32 s29, $0x1F  }
0x8b: {  	s15 =	sshrl.u32 s30, $0x1D  }
0x8c: {  	s15 =	sadd.s32 s15, s29  }
0x8d: {  	s31 =	sand.u32 $0xFFFFFFF8, s15  }
0x8e: {  	p3 =	slt.s32 s29, $0x1;
	p4 =	sne.s32 s29, s31  }
0x8f: {  	p0 =	por !p3, !p4  }
0x90: {  	s16 =	simm.s32 $0x1;
	p0 =	por !p0, !p0  }
0x91: {  	s15 =	sshrl.u32 s15, $0x3;
	s16 =	simm.s32 @!p0 $0x0  }
0x92: {  	s15 =	ssub.s32 s15, s16  }
0x93: {  	s14 =	sshll.u32 s29, $0x4;
	s15 =	sshll.u32 s15, $0x7  }
0x94: {  	s14 =	sadd.s32 $0x80, s14;
	s15 =	sand.u32 $0x1FFFFF80, s15  }
0x95: {  	s14 =	sand.u32 $0x70, s14;
	s15 =	sadd.s32 s3, s15  }
0x96: {  	s17 =	sadd.s32 $0x600, s13;
	s14 =	sadd.s32 s14, s15  }
0x97: {  	[tilespmem:s17], [sflag:$0x1] =	stream.linear.gather [hbm4b:s14+s2], $0x80, $0x38;
	[tilespmem:$0x10200] =	vst v63  }
0x98: {  	s18 =	spop (v2sf);
	(v2sf) =	vpush v0, $0xA  }
0x99: {  	s19 =	sshra.s32 s18, $0x1F  }
0x9a: {  	s15 =	sshrl.u32 s19, $0x1D  }
0x9b: {  	s15 =	sadd.s32 s15, s18  }
0x9c: {  	s20 =	sand.u32 $0xFFFFFFF8, s15  }
0x9d: {  	p5 =	slt.s32 s18, $0x1;
	p6 =	sne.s32 s18, s20  }
0x9e: {  	p0 =	por !p5, !p6  }
0x9f: {  	s16 =	simm.s32 $0x1;
	p0 =	por !p0, !p0  }
0xa0: {  	s15 =	sshrl.u32 s15, $0x3;
	s16 =	simm.s32 @!p0 $0x0  }
0xa1: {  	s15 =	ssub.s32 s15, s16  }
0xa2: {  	s14 =	sshll.u32 s18, $0x4;
	s15 =	sshll.u32 s15, $0x7  }
0xa3: {  	s14 =	sadd.s32 $0x80, s14;
	s15 =	sand.u32 $0x1FFFFF80, s15  }
0xa4: {  	s14 =	sand.u32 $0x70, s14;
	s15 =	sadd.s32 s3, s15  }
0xa5: {  	s21 =	sadd.s32 $0x680, s13;
	s14 =	sadd.s32 s14, s15  }
0xa6: {  	[tilespmem:s21], [sflag:$0x1] =	stream.linear.gather [hbm4b:s14+s2], $0x80, $0x38;
	[tilespmem:$0x10200] =	vst v63  }
0xa7: {  	s22 =	spop (v2sf);
	(v2sf) =	vpush v0, $0xB  }
0xa8: {  	s23 =	sshra.s32 s22, $0x1F  }
0xa9: {  	s15 =	sshrl.u32 s23, $0x1D  }
0xaa: {  	s15 =	sadd.s32 s15, s22  }
0xab: {  	s24 =	sand.u32 $0xFFFFFFF8, s15  }
0xac: {  	p1 =	slt.s32 s22, $0x1;
	p2 =	sne.s32 s22, s24  }
0xad: {  	p0 =	por !p1, !p2  }
0xae: {  	s16 =	simm.s32 $0x1;
	p0 =	por !p0, !p0  }
0xaf: {  	s15 =	sshrl.u32 s15, $0x3;
	s16 =	simm.s32 @!p0 $0x0  }
0xb0: {  	s15 =	ssub.s32 s15, s16  }
0xb1: {  	s14 =	sshll.u32 s22, $0x4;
	s15 =	sshll.u32 s15, $0x7  }
0xb2: {  	s14 =	sadd.s32 $0x80, s14;
	s15 =	sand.u32 $0x1FFFFF80, s15  }
0xb3: {  	s14 =	sand.u32 $0x70, s14;
	s15 =	sadd.s32 s3, s15  }
0xb4: {  	s25 =	sadd.s32 $0x700, s13;
	s14 =	sadd.s32 s14, s15  }
0xb5: {  	[tilespmem:s25], [sflag:$0x1] =	stream.linear.gather [hbm4b:s14+s2], $0x80, $0x38;
	[tilespmem:$0x10200] =	vst v63  }
0xb6: {  	s26 =	spop (v2sf);
	(v2sf) =	vpush v0, $0xC  }
0xb7: {  	s28 =	sshra.s32 s26, $0x1F  }
0xb8: {  	s15 =	sshrl.u32 s28, $0x1D  }
0xb9: {  	s15 =	sadd.s32 s15, s26  }
0xba: {  	s29 =	sand.u32 $0xFFFFFFF8, s15  }
0xbb: {  	p3 =	slt.s32 s26, $0x1;
	p4 =	sne.s32 s26, s29  }
0xbc: {  	p0 =	por !p3, !p4  }
0xbd: {  	s16 =	simm.s32 $0x1;
	p0 =	por !p0, !p0  }
0xbe: {  	s15 =	sshrl.u32 s15, $0x3;
	s16 =	simm.s32 @!p0 $0x0  }
0xbf: {  	s15 =	ssub.s32 s15, s16  }
0xc0: {  	s14 =	sshll.u32 s26, $0x4;
	s15 =	sshll.u32 s15, $0x7  }
0xc1: {  	s14 =	sadd.s32 $0x80, s14;
	s15 =	sand.u32 $0x1FFFFF80, s15  }
0xc2: {  	s14 =	sand.u32 $0x70, s14;
	s15 =	sadd.s32 s3, s15  }
0xc3: {  	s30 =	sadd.s32 $0x780, s13;
	s14 =	sadd.s32 s14, s15  }
0xc4: {  	[tilespmem:s30], [sflag:$0x1] =	stream.linear.gather [hbm4b:s14+s2], $0x80, $0x38;
	[tilespmem:$0x10200] =	vst v63  }
0xc5: {  	s31 =	spop (v2sf);
	(v2sf) =	vpush v0, $0xD  }
0xc6: {  	s17 =	sshra.s32 s31, $0x1F  }
0xc7: {  	s15 =	sshrl.u32 s17, $0x1D  }
0xc8: {  	s15 =	sadd.s32 s15, s31  }
0xc9: {  	s18 =	sand.u32 $0xFFFFFFF8, s15  }
0xca: {  	p5 =	slt.s32 s31, $0x1;
	p6 =	sne.s32 s31, s18  }
0xcb: {  	p0 =	por !p5, !p6  }
0xcc: {  	s16 =	simm.s32 $0x1;
	p0 =	por !p0, !p0  }
0xcd: {  	s15 =	sshrl.u32 s15, $0x3;
	s16 =	simm.s32 @!p0 $0x0  }
0xce: {  	s15 =	ssub.s32 s15, s16  }
0xcf: {  	s14 =	sshll.u32 s31, $0x4;
	s15 =	sshll.u32 s15, $0x7  }
0xd0: {  	s14 =	sadd.s32 $0x80, s14;
	s15 =	sand.u32 $0x1FFFFF80, s15  }
0xd1: {  	s14 =	sand.u32 $0x70, s14;
	s15 =	sadd.s32 s3, s15  }
0xd2: {  	s19 =	sadd.s32 $0x800, s13;
	s14 =	sadd.s32 s14, s15  }
0xd3: {  	[tilespmem:s19], [sflag:$0x1] =	stream.linear.gather [hbm4b:s14+s2], $0x80, $0x38;
	[tilespmem:$0x10200] =	vst v63  }
0xd4: {  	s20 =	spop (v2sf);
	(v2sf) =	vpush v0, $0xE  }
0xd5: {  	s21 =	sshra.s32 s20, $0x1F  }
0xd6: {  	s15 =	sshrl.u32 s21, $0x1D  }
0xd7: {  	s15 =	sadd.s32 s15, s20  }
0xd8: {  	s22 =	sand.u32 $0xFFFFFFF8, s15  }
0xd9: {  	p1 =	slt.s32 s20, $0x1;
	p2 =	sne.s32 s20, s22  }
0xda: {  	p0 =	por !p1, !p2  }
0xdb: {  	s16 =	simm.s32 $0x1;
	p0 =	por !p0, !p0  }
0xdc: {  	s15 =	sshrl.u32 s15, $0x3;
	s16 =	simm.s32 @!p0 $0x0  }
0xdd: {  	s15 =	ssub.s32 s15, s16  }
0xde: {  	s14 =	sshll.u32 s20, $0x4;
	s15 =	sshll.u32 s15, $0x7  }
0xdf: {  	s14 =	sadd.s32 $0x80, s14;
	s15 =	sand.u32 $0x1FFFFF80, s15  }
0xe0: {  	s14 =	sand.u32 $0x70, s14;
	s15 =	sadd.s32 s3, s15  }
0xe1: {  	s23 =	sadd.s32 $0x880, s13;
	s14 =	sadd.s32 s14, s15  }
0xe2: {  	[tilespmem:s23], [sflag:$0x1] =	stream.linear.gather [hbm4b:s14+s2], $0x80, $0x38;
	[tilespmem:$0x10200] =	vst v63  }
0xe3: {  	s24 =	spop (v2sf);
	(v2sf) =	vpush v0, $0xF  }
0xe4: {  	s25 =	sshra.s32 s24, $0x1F  }
0xe5: {  	s15 =	sshrl.u32 s25, $0x1D  }
0xe6: {  	s15 =	sadd.s32 s15, s24  }
0xe7: {  	s26 =	sand.u32 $0xFFFFFFF8, s15  }
0xe8: {  	p3 =	slt.s32 s24, $0x1;
	p4 =	sne.s32 s24, s26  }
0xe9: {  	p0 =	por !p3, !p4  }
0xea: {  	s16 =	simm.s32 $0x1;
	p0 =	por !p0, !p0  }
0xeb: {  	s15 =	sshrl.u32 s15, $0x3;
	s16 =	simm.s32 @!p0 $0x0  }
0xec: {  	s15 =	ssub.s32 s15, s16  }
0xed: {  	s14 =	sshll.u32 s24, $0x4;
	s15 =	sshll.u32 s15, $0x7  }
0xee: {  	s14 =	sadd.s32 $0x80, s14;
	s15 =	sand.u32 $0x1FFFFF80, s15  }
0xef: {  	s14 =	sand.u32 $0x70, s14;
	s15 =	sadd.s32 s3, s15  }
0xf0: {  	s28 =	sadd.s32 $0x900, s13;
	s14 =	sadd.s32 s14, s15  }
0xf1: {  	[tilespmem:s28], [sflag:$0x1] =	stream.linear.gather [hbm4b:s14+s2], $0x80, $0x38;
	[tilespmem:$0x10200] =	vst v63  }
0xf2: {  	s29 =	spop (v2sf)  }
0xf3: {  	s30 =	sshra.s32 s29, $0x1F  }
0xf4: {  	s15 =	sshrl.u32 s30, $0x1D  }
0xf5: {  	s15 =	sadd.s32 s15, s29  }
0xf6: {  	s31 =	sand.u32 $0xFFFFFFF8, s15  }
0xf7: {  	p5 =	slt.s32 s29, $0x1;
	p6 =	sne.s32 s29, s31  }
0xf8: {  	p0 =	por !p5, !p6  }
0xf9: {  	s16 =	simm.s32 $0x1;
	p0 =	por !p0, !p0  }
0xfa: {  	s15 =	sshrl.u32 s15, $0x3;
	s16 =	simm.s32 @!p0 $0x0  }
0xfb: {  	p0 =	sne.s32 s12, $0x3E000;
	s15 =	ssub.s32 s15, s16  }
.Ltmp0:
0xfc: {  	s14 =	sshll.u32 s29, $0x4;
	s15 =	sshll.u32 s15, $0x7;
	(pc) =	sbr.rel @p0 .LBB2_2-.Ltmp0, $4  }
0xfd: {  	s14 =	sadd.s32 $0x80, s14;
	s15 =	sand.u32 $0x1FFFFF80, s15  }
0xfe: {  	s11 =	sadd.s32 $0x10, s11;
	s14 =	sand.u32 $0x70, s14;
	s15 =	sadd.s32 s3, s15  }
0xff: {  	s13 =	sadd.s32 $0x980, s13;
	s12 =	sadd.s32 $0x2000, s12;
	s14 =	sadd.s32 s14, s15  }
0x100: {  	[tilespmem:s13], [sflag:$0x1] =	stream.linear.gather [hbm4b:s14+s2], $0x80, $0x38;
	[tilespmem:$0x10200] =	vst v63  }
0x101: {  	_ =	swait.ge [sflag:s8], $0x10000;
	s10 =	sadd.s32 $0x1, s10  }
0x102: {  	[sflag:s8] =	ssyncset.done $0x0;
	p0 =	sne.s32 s10, s6  }
.Ltmp1:
0x103: {  	[sflag:s8] =	ssyncadd.s32 $0xFFFF0000;
	(pc) =	sbr.rel @p0 .LBB2_1-.Ltmp1, $4  }
0x104: {  	[hbm4b:s5+s2] =	stream.linear.scatter [tilespmem:s9], [sflag:$0x2], $0x10000, $0x38;
	[tilespmem:$0x10200] =	vst v63  }
0x105: {  	_ =	swait.ge [sflag:s7], $0x10000  }
0x106: {  	[sflag:s7] =	ssyncset.done $0x0  }
0x107: {  	[sflag:s7] =	ssyncadd.s32 $0xFFFF0000  }
0x108: {  	_ =	sfence.sel $0x180000  }
0x109: {  	[bflag:$0x0] =	sbarrier.arrive $0xFFFF  }
0x10a: {  	p0 =	sne.s32 s1, $0x0;
	_ =	strace $0x90000047  }
0x10b: {  	s0 =	sadd.s32 @!p0 $0x100000, s0;
	[bflag:$0x2] =	sbarrier.arrive $0xFFFF  }
0x10c: {  	[sflag:s0] =	ssyncadd.tile.s32 @!p0 $0x1;
	_ =	shalt  }
.Lfunc_end2:
_tile_overlayer_lowered:
.L_overlay_start_2:
0x10d: {  	(tag) =	ssettag $0x2  }
0x10e: {  	s0 =	rddreg [dreg:$0x0];
	s2 =	stileid.u32  }
0x10f: {  	s1 =	rddreg [dreg:$0x1];
	p0 =	sne.s32 s2, $0x0  }
0x110: {  	s3 =	rddreg [dreg:$0x2];
	[bflag:$0x3] =	sbarrier.arrive $0xFFFF;
	s2 =	simm.s32 @!p0 $0x1C02  }
0x111: {  	[timem:s3], [sflag:s2] =	dma.local @!p0 [hbm:s0], s1  }
0x112: {  	s0 =	simm.s32 @!p0 $0x2  }
0x113: {  	_ =	swait.ge @!p0 [sflag:s0], s1  }
0x114: {  	s1 =	ssub.s32 @!p0 $0x0, s1;
	[sflag:s0] =	ssyncset.done @!p0 $0x0  }
0x115: {  	[sflag:s0] =	ssyncadd.s32 @!p0 s1  }
0x116: {  	[bflag:$0x3] =	sbarrier.arrive $0xFFFF  }
0x117: {  	_ =	shalt  }

</sc_bundles>
